<compile_context>
chip_gen: v7x
topology: tpu7x:2x2x1
jax: 0.10.2.dev20260603
libtpu: 0.0.44.dev20260713+nightly
codegen_flags: <defaults>
</compile_context>

<pallas_src>
import functools

import jax
import jax.numpy as jnp
from jax import lax
from jax.experimental import pallas as pl
from jax.experimental.pallas import tpu as pltpu
from jax.experimental.pallas import tpu_sc as plsc

H = 128
V = 10000
VP = 10240
E = 320000
NS = 16
GW = 80
NG = E // GW
GPT = NG // NS
IB = 10
NCH = GPT // IB
CHW = IB * GW
RPT = VP // NS
NSLOT = 3
ZR = NSLOT * GW
DR = VP // H
DRT = DR // NS


def _sc_body(x, idxr, out_pq, out_deg, acc, deg_sh, ibuf, rows, hist, iidx,
             gsem0, gsem1, ssem0, ssem1, isem):
    c = lax.axis_index("c")
    s = lax.axis_index("s")
    gsel = 1 - c
    base = s * RPT
    crow = s * NCH
    gsems = (gsem0, gsem1)
    ssems = (ssem0, ssem1)
    ones16 = jnp.ones((16,), jnp.float32)

    def zrow(i, carry):
        for j in range(H // 16):
            rows[i, pl.ds(j * 16, 16)] = jnp.zeros((16,), jnp.float32)
        return carry

    lax.fori_loop(0, ZR, zrow, 0)

    def hrow(i, carry):
        for j in range(H // 16):
            hist[i, pl.ds(j * 16, 16)] = jnp.zeros((16,), jnp.float32)
        return carry

    lax.fori_loop(0, DR, hrow, 0)
    for k in range(DR // 16):
        iidx[0, pl.ds(k * 16, 16)] = lax.iota(jnp.int32, 16) + (k * 16)

    pltpu.sync_copy(rows, acc.at[pl.ds(base, ZR)])
    pltpu.sync_copy(rows, acc.at[pl.ds(base + ZR, ZR)])
    pltpu.sync_copy(rows.at[pl.ds(0, RPT - 2 * ZR)],
                    acc.at[pl.ds(base + 2 * ZR, RPT - 2 * ZR)])
    pltpu.sync_copy(rows.at[pl.ds(0, DRT)], deg_sh.at[pl.ds(s * DRT, DRT)])
    plsc.subcore_barrier()

    def locate(g):
        ci = g // IB
        return lax.rem(ci, 2), g - ci * IB, lax.rem(g, NSLOT) * GW

    def load_chunk(ci, buf, fire_only):
        for e in range(2):
            d = pltpu.make_async_copy(
                idxr.at[e, pl.ds((crow + ci) * CHW, CHW)], ibuf.at[buf, e],
                isem)
            if fire_only:
                d.start()
            else:
                d.wait()

    def fire_gather(g, parity):
        buf, j, slot = locate(g)
        pltpu.async_copy(x.at[ibuf.at[buf, gsel, pl.ds(j * GW, GW)]],
                         rows.at[pl.ds(slot, GW)], gsems[parity])

    def wait_gather(g, parity):
        buf, j, slot = locate(g)
        pltpu.make_async_copy(x.at[ibuf.at[buf, gsel, pl.ds(j * GW, GW)]],
                              rows.at[pl.ds(slot, GW)], gsems[parity]).wait()

    def fire_scatter(g, parity):
        buf, j, slot = locate(g)
        pltpu.async_copy(rows.at[pl.ds(slot, GW)],
                         acc.at[ibuf.at[buf, c, pl.ds(j * GW, GW)]],
                         ssems[parity], add=True)

    def wait_scatter(g, parity):
        buf, j, slot = locate(g)
        pltpu.make_async_copy(rows.at[pl.ds(slot, GW)],
                              acc.at[ibuf.at[buf, c, pl.ds(j * GW, GW)]],
                              ssems[parity]).wait()

    def hist_update(g):
        buf, j, _ = locate(g)
        for k in range(GW // 16):
            v = ibuf[buf, c, pl.ds(j * GW + k * 16, 16)]
            plsc.addupdate_scatter(
                hist,
                [lax.shift_right_logical(v, 7), jnp.bitwise_and(v, 127)],
                ones16)

    load_chunk(0, 0, fire_only=True)
    load_chunk(0, 0, fire_only=False)
    fire_gather(0, 0)
    fire_gather(1, 1)

    def step(b, carry):
        for p in range(2):
            g = 2 * b + p
            wait_gather(g, p)
            fire_scatter(g, p)
            hist_update(g)

            @pl.when(g >= 1)
            def _():
                wait_scatter(g - 1, 1 - p)

            ci = g // IB
            j = g - ci * IB

            @pl.when(jnp.logical_and(j == 0, ci + 1 < NCH))
            def _():
                load_chunk(ci + 1, 1 - lax.rem(ci, 2), fire_only=True)

            @pl.when(g + 2 < GPT)
            def _():
                g2 = g + 2
                ci2 = g2 // IB

                @pl.when(g2 - ci2 * IB == 0)
                def _():
                    load_chunk(ci2, lax.rem(ci2, 2), fire_only=False)

                fire_gather(g2, p)
        return carry

    lax.fori_loop(0, GPT // 2, step, 0)
    wait_scatter(GPT - 1, (GPT - 1) % 2)
    pltpu.sync_copy(hist, deg_sh.at[iidx.at[0]], add=True)
    plsc.subcore_barrier()

    pq_desc = pltpu.make_async_copy(
        acc.at[pl.ds(base, RPT)], out_pq.at[c, pl.ds(base, RPT)], isem)
    pq_desc.start()
    pltpu.sync_copy(
        deg_sh.at[pl.ds(s * DRT, DRT)],
        out_deg.at[c, s // 2, pl.ds(lax.rem(s, 2) * DRT, DRT)])
    pq_desc.wait()


_sc_accumulate = functools.partial(
    pl.kernel,
    out_type=(
        jax.ShapeDtypeStruct((2, VP, H), jnp.float32),
        jax.ShapeDtypeStruct((2, DR // 10, 10, H), jnp.float32),
    ),
    mesh=plsc.VectorSubcoreMesh(core_axis_name="c", subcore_axis_name="s"),
    compiler_params=pltpu.CompilerParams(use_tc_tiling_on_sc=False,
                                         needs_layout_passes=False),
    scratch_types=[
        pltpu.VMEM_SHARED((VP, H), jnp.float32),
        pltpu.VMEM_SHARED((DR, H), jnp.float32),
        pltpu.VMEM((2, 2, CHW), jnp.int32),
        pltpu.VMEM((ZR, H), jnp.float32),
        pltpu.VMEM((DR, H), jnp.float32),
        pltpu.VMEM((1, DR), jnp.int32),
        pltpu.SemaphoreType.DMA,
        pltpu.SemaphoreType.DMA,
        pltpu.SemaphoreType.DMA,
        pltpu.SemaphoreType.DMA,
        pltpu.SemaphoreType.DMA,
    ],
)(_sc_body)


def _mm_body(d_ref, x_ref, p_ref, q_ref, w_ref, o_ref):
    xb = x_ref[...]
    sel = jnp.where(
        lax.broadcasted_iota(jnp.int32, (_BM, _DB), 0) // H
        == lax.broadcasted_iota(jnp.int32, (_BM, _DB), 1),
        1.0, 0.0)
    lane_pick = jnp.where(
        lax.broadcasted_iota(jnp.int32, (_BM, H), 1)
        == lax.rem(lax.broadcasted_iota(jnp.int32, (_BM, H), 0), H),
        1.0, 0.0)

    def spread(u):
        z = lax.dot_general(sel, u, (((1,), (0,)), ((), ())),
                            preferred_element_type=jnp.float32)
        return jnp.sum(z * lane_pick, axis=1, keepdims=True)

    dout = spread(d_ref[0, 0])
    din = spread(d_ref[1, 0])
    hcat = jnp.concatenate(
        [xb * dout, p_ref[0], q_ref[0], xb * din], axis=1)
    w = w_ref[...]
    wcat = jnp.concatenate([w[:H, :], w[H:, :]], axis=1)
    o_ref[...] = lax.dot_general(
        hcat, wcat, (((1,), (1,)), ((), ())),
        preferred_element_type=jnp.float32)


_BM = 1280
_DB = _BM // H
_mm = pl.pallas_call(
    _mm_body,
    grid=((V + _BM - 1) // _BM,),
    in_specs=[
        pl.BlockSpec((2, 1, _DB, H), lambda i: (0, i, 0, 0)),
        pl.BlockSpec((_BM, H), lambda i: (i, 0)),
        pl.BlockSpec((1, _BM, H), lambda i: (0, i, 0)),
        pl.BlockSpec((1, _BM, H), lambda i: (1, i, 0)),
        pl.BlockSpec((2 * H, 2 * H), lambda i: (0, 0)),
    ],
    out_specs=pl.BlockSpec((_BM, H), lambda i: (i, 0)),
    out_shape=jax.ShapeDtypeStruct((V, H), jnp.float32),
)


def kernel(x, edge_index, W):
    pq, deg4 = _sc_accumulate(x, edge_index)
    return _mm(deg4, x, pq, pq, W)

# --- scband reference (transcript-rebuilt; emitter-appended) ---
"""Pipeline reference for scband-message-network-90443421319353 (READ-ONLY COPY).

The authoritative reference and input builder live on the scoring server;
editing this copy changes nothing except your own understanding.
"""

import jax, jax.numpy as jnp
import numpy as np

HIDDEN = 128
NUM_VARS = 10000
NUM_EDGES = 320000


def setup_inputs(seed: int = 0) -> dict:
    key = jax.random.key(seed)
    k1, k2, k3 = jax.random.split(key, 3)
    x = jax.random.normal(k1, (NUM_VARS, HIDDEN), dtype=jnp.float32)
    edge_index = jax.random.randint(k2, (2, NUM_EDGES), 0, NUM_VARS, dtype=jnp.int32)
    # Linear(2*hidden, 2*hidden, bias=False): weight W of shape [2H, 2H], out = h @ W.T
    W = jax.random.normal(k3, (2 * HIDDEN, 2 * HIDDEN), dtype=jnp.float32) * (1.0 / np.sqrt(2 * HIDDEN))
    return {"x": x, "edge_index": edge_index, "W": W}


def reference(x, edge_index, W):
    src = edge_index[0]
    dst = edge_index[1]
    # gather endpoint features and concat -> [E, 2H]
    h = jnp.concatenate([jnp.take(x, src, axis=0), jnp.take(x, dst, axis=0)], axis=1)
    # Linear without bias
    h = h @ W.T
    # scatter-add halves back to nodes
    r = jax.ops.segment_sum(h[:, :HIDDEN], src, num_segments=NUM_VARS) + \
        jax.ops.segment_sum(h[:, HIDDEN:], dst, num_segments=NUM_VARS)
    return r

if __name__ == "__main__":
    import jax
    _d = setup_inputs()
    print(jax.jit(kernel)(*tuple(_d.values())))

</pallas_src>

<mosaic_0001>
#map = affine_map<(d0, d1) -> (0, 0)>
#map1 = affine_map<(d0, d1) -> (0, 0, 0)>
#map2 = affine_map<(d0, d1) -> (0, 0, 0, 0)>
module attributes {stable_mosaic.version = 14 : i64} {
  func.func @_sc_body(%arg0: i32, %arg1: i32, %arg2: memref<10000x128xf32, #tpu.memory_space<hbm>>, %arg3: memref<2x320000xi32, #tpu.memory_space<hbm>>, %arg4: memref<2x10240x128xf32, #tpu.memory_space<hbm>>, %arg5: memref<2x8x10x128xf32, #tpu.memory_space<hbm>>, %arg6: memref<10240x128xf32, #tpu.memory_space<vmem_shared>>, %arg7: memref<80x128xf32, #tpu.memory_space<vmem_shared>>, %arg8: memref<2x2x800xi32, #tpu.memory_space<vmem>>, %arg9: memref<240x128xf32, #tpu.memory_space<vmem>>, %arg10: memref<80x128xf32, #tpu.memory_space<vmem>>, %arg11: memref<1x80xi32, #tpu.memory_space<vmem>>, %arg12: memref<!tpu.dma_semaphore, #tpu.memory_space<semaphore_mem>>, %arg13: memref<!tpu.dma_semaphore, #tpu.memory_space<semaphore_mem>>, %arg14: memref<!tpu.dma_semaphore, #tpu.memory_space<semaphore_mem>>, %arg15: memref<!tpu.dma_semaphore, #tpu.memory_space<semaphore_mem>>, %arg16: memref<!tpu.dma_semaphore, #tpu.memory_space<semaphore_mem>>) attributes {dimension_semantics = [#tpu.dimension_semantics<core_parallel>, #tpu.dimension_semantics<subcore_parallel>], iteration_bounds = array<i64: 2, 16>, scalar_prefetch = 0 : i64, scratch_operands = 11 : i64, tpu.core_type = #tpu.core_type<sc_vector_subcore>, window_params = [{transform_indices = #map}, {transform_indices = #map}, {transform_indices = #map1}, {transform_indices = #map2}]} {
    %sub3A = arith.constant 1 : i32
    %sub3A_0 = arith.subi %sub3A, %arg0 : i32
    %mul3A = arith.constant 640 : i32
    %mul3A_1 = arith.muli %arg1, %mul3A : i32
    %mul3A_2 = arith.constant 25 : i32
    %mul3A_3 = arith.muli %arg1, %mul3A_2 : i32
    %broadcast_in_dim3A = arith.constant 1.000000e+00 : f32
    %broadcast_in_dim3A_4 = vector.broadcast %broadcast_in_dim3A : f32 to vector<16xf32>
    %scan3A = arith.constant 0 : i32
    %scan3A_5 = arith.constant 0 : i32
    %scan3A_6 = arith.constant 240 : i32
    %scan3A_7 = arith.addi %scan3A_5, %scan3A_6 : i32
    %scan3A_8 = arith.constant 1 : i32
    scf.for %scan3A_213 = %scan3A_5 to %scan3A_7 step %scan3A_8  : i32 {
      %broadcast_in_dim3A_214 = arith.constant 0.000000e+00 : f32
      %broadcast_in_dim3A_215 = vector.broadcast %broadcast_in_dim3A_214 : f32 to vector<16xf32>
      %swap3A_216 = arith.index_cast %scan3A_213 : i32 to index
      %swap3A_217 = arith.constant 0 : index
      %swap3A_218 = tpu.vector_load %arg9[%swap3A_216, %swap3A_217] {strides = array<i32>} : memref<240x128xf32, #tpu.memory_space<vmem>>, vector<16xf32>,
      tpu.vector_store %arg9[%swap3A_216, %swap3A_217], %broadcast_in_dim3A_215 {strides = array<i32>} : memref<240x128xf32, #tpu.memory_space<vmem>>, vector<16xf32>,
      %broadcast_in_dim3A_219 = arith.constant 0.000000e+00 : f32
      %broadcast_in_dim3A_220 = vector.broadcast %broadcast_in_dim3A_219 : f32 to vector<16xf32>
      %swap3A_221 = arith.index_cast %scan3A_213 : i32 to index
      %swap3A_222 = arith.constant 16 : index
      %swap3A_223 = tpu.vector_load %arg9[%swap3A_221, %swap3A_222] {strides = array<i32>} : memref<240x128xf32, #tpu.memory_space<vmem>>, vector<16xf32>,
      tpu.vector_store %arg9[%swap3A_221, %swap3A_222], %broadcast_in_dim3A_220 {strides = array<i32>} : memref<240x128xf32, #tpu.memory_space<vmem>>, vector<16xf32>,
      %broadcast_in_dim3A_224 = arith.constant 0.000000e+00 : f32
      %broadcast_in_dim3A_225 = vector.broadcast %broadcast_in_dim3A_224 : f32 to vector<16xf32>
      %swap3A_226 = arith.index_cast %scan3A_213 : i32 to index
      %swap3A_227 = arith.constant 32 : index
      %swap3A_228 = tpu.vector_load %arg9[%swap3A_226, %swap3A_227] {strides = array<i32>} : memref<240x128xf32, #tpu.memory_space<vmem>>, vector<16xf32>,
      tpu.vector_store %arg9[%swap3A_226, %swap3A_227], %broadcast_in_dim3A_225 {strides = array<i32>} : memref<240x128xf32, #tpu.memory_space<vmem>>, vector<16xf32>,
      %broadcast_in_dim3A_229 = arith.constant 0.000000e+00 : f32
      %broadcast_in_dim3A_230 = vector.broadcast %broadcast_in_dim3A_229 : f32 to vector<16xf32>
      %swap3A_231 = arith.index_cast %scan3A_213 : i32 to index
      %swap3A_232 = arith.constant 48 : index
      %swap3A_233 = tpu.vector_load %arg9[%swap3A_231, %swap3A_232] {strides = array<i32>} : memref<240x128xf32, #tpu.memory_space<vmem>>, vector<16xf32>,
      tpu.vector_store %arg9[%swap3A_231, %swap3A_232], %broadcast_in_dim3A_230 {strides = array<i32>} : memref<240x128xf32, #tpu.memory_space<vmem>>, vector<16xf32>,
      %broadcast_in_dim3A_234 = arith.constant 0.000000e+00 : f32
      %broadcast_in_dim3A_235 = vector.broadcast %broadcast_in_dim3A_234 : f32 to vector<16xf32>
      %swap3A_236 = arith.index_cast %scan3A_213 : i32 to index
      %swap3A_237 = arith.constant 64 : index
      %swap3A_238 = tpu.vector_load %arg9[%swap3A_236, %swap3A_237] {strides = array<i32>} : memref<240x128xf32, #tpu.memory_space<vmem>>, vector<16xf32>,
      tpu.vector_store %arg9[%swap3A_236, %swap3A_237], %broadcast_in_dim3A_235 {strides = array<i32>} : memref<240x128xf32, #tpu.memory_space<vmem>>, vector<16xf32>,
      %broadcast_in_dim3A_239 = arith.constant 0.000000e+00 : f32
      %broadcast_in_dim3A_240 = vector.broadcast %broadcast_in_dim3A_239 : f32 to vector<16xf32>
      %swap3A_241 = arith.index_cast %scan3A_213 : i32 to index
      %swap3A_242 = arith.constant 80 : index
      %swap3A_243 = tpu.vector_load %arg9[%swap3A_241, %swap3A_242] {strides = array<i32>} : memref<240x128xf32, #tpu.memory_space<vmem>>, vector<16xf32>,
      tpu.vector_store %arg9[%swap3A_241, %swap3A_242], %broadcast_in_dim3A_240 {strides = array<i32>} : memref<240x128xf32, #tpu.memory_space<vmem>>, vector<16xf32>,
      %broadcast_in_dim3A_244 = arith.constant 0.000000e+00 : f32
      %broadcast_in_dim3A_245 = vector.broadcast %broadcast_in_dim3A_244 : f32 to vector<16xf32>
      %swap3A_246 = arith.index_cast %scan3A_213 : i32 to index
      %swap3A_247 = arith.constant 96 : index
      %swap3A_248 = tpu.vector_load %arg9[%swap3A_246, %swap3A_247] {strides = array<i32>} : memref<240x128xf32, #tpu.memory_space<vmem>>, vector<16xf32>,
      tpu.vector_store %arg9[%swap3A_246, %swap3A_247], %broadcast_in_dim3A_245 {strides = array<i32>} : memref<240x128xf32, #tpu.memory_space<vmem>>, vector<16xf32>,
      %broadcast_in_dim3A_249 = arith.constant 0.000000e+00 : f32
      %broadcast_in_dim3A_250 = vector.broadcast %broadcast_in_dim3A_249 : f32 to vector<16xf32>
      %swap3A_251 = arith.index_cast %scan3A_213 : i32 to index
      %swap3A_252 = arith.constant 112 : index
      %swap3A_253 = tpu.vector_load %arg9[%swap3A_251, %swap3A_252] {strides = array<i32>} : memref<240x128xf32, #tpu.memory_space<vmem>>, vector<16xf32>,
      tpu.vector_store %arg9[%swap3A_251, %swap3A_252], %broadcast_in_dim3A_250 {strides = array<i32>} : memref<240x128xf32, #tpu.memory_space<vmem>>, vector<16xf32>,
    }
    %scan3A_9 = arith.constant 240 : i32
    %scan3A_10 = arith.constant 0 : i32
    %scan3A_11 = arith.constant 0 : i32
    %scan3A_12 = arith.constant 80 : i32
    %scan3A_13 = arith.addi %scan3A_11, %scan3A_12 : i32
    %scan3A_14 = arith.constant 1 : i32
    scf.for %scan3A_213 = %scan3A_11 to %scan3A_13 step %scan3A_14  : i32 {
      %broadcast_in_dim3A_214 = arith.constant 0.000000e+00 : f32
      %broadcast_in_dim3A_215 = vector.broadcast %broadcast_in_dim3A_214 : f32 to vector<16xf32>
      %swap3A_216 = arith.index_cast %scan3A_213 : i32 to index
      %swap3A_217 = arith.constant 0 : index
      %swap3A_218 = tpu.vector_load %arg10[%swap3A_216, %swap3A_217] {strides = array<i32>} : memref<80x128xf32, #tpu.memory_space<vmem>>, vector<16xf32>,
      tpu.vector_store %arg10[%swap3A_216, %swap3A_217], %broadcast_in_dim3A_215 {strides = array<i32>} : memref<80x128xf32, #tpu.memory_space<vmem>>, vector<16xf32>,
      %broadcast_in_dim3A_219 = arith.constant 0.000000e+00 : f32
      %broadcast_in_dim3A_220 = vector.broadcast %broadcast_in_dim3A_219 : f32 to vector<16xf32>
      %swap3A_221 = arith.index_cast %scan3A_213 : i32 to index
      %swap3A_222 = arith.constant 16 : index
      %swap3A_223 = tpu.vector_load %arg10[%swap3A_221, %swap3A_222] {strides = array<i32>} : memref<80x128xf32, #tpu.memory_space<vmem>>, vector<16xf32>,
      tpu.vector_store %arg10[%swap3A_221, %swap3A_222], %broadcast_in_dim3A_220 {strides = array<i32>} : memref<80x128xf32, #tpu.memory_space<vmem>>, vector<16xf32>,
      %broadcast_in_dim3A_224 = arith.constant 0.000000e+00 : f32
      %broadcast_in_dim3A_225 = vector.broadcast %broadcast_in_dim3A_224 : f32 to vector<16xf32>
      %swap3A_226 = arith.index_cast %scan3A_213 : i32 to index
      %swap3A_227 = arith.constant 32 : index
      %swap3A_228 = tpu.vector_load %arg10[%swap3A_226, %swap3A_227] {strides = array<i32>} : memref<80x128xf32, #tpu.memory_space<vmem>>, vector<16xf32>,
      tpu.vector_store %arg10[%swap3A_226, %swap3A_227], %broadcast_in_dim3A_225 {strides = array<i32>} : memref<80x128xf32, #tpu.memory_space<vmem>>, vector<16xf32>,
      %broadcast_in_dim3A_229 = arith.constant 0.000000e+00 : f32
      %broadcast_in_dim3A_230 = vector.broadcast %broadcast_in_dim3A_229 : f32 to vector<16xf32>
      %swap3A_231 = arith.index_cast %scan3A_213 : i32 to index
      %swap3A_232 = arith.constant 48 : index
      %swap3A_233 = tpu.vector_load %arg10[%swap3A_231, %swap3A_232] {strides = array<i32>} : memref<80x128xf32, #tpu.memory_space<vmem>>, vector<16xf32>,
      tpu.vector_store %arg10[%swap3A_231, %swap3A_232], %broadcast_in_dim3A_230 {strides = array<i32>} : memref<80x128xf32, #tpu.memory_space<vmem>>, vector<16xf32>,
      %broadcast_in_dim3A_234 = arith.constant 0.000000e+00 : f32
      %broadcast_in_dim3A_235 = vector.broadcast %broadcast_in_dim3A_234 : f32 to vector<16xf32>
      %swap3A_236 = arith.index_cast %scan3A_213 : i32 to index
      %swap3A_237 = arith.constant 64 : index
      %swap3A_238 = tpu.vector_load %arg10[%swap3A_236, %swap3A_237] {strides = array<i32>} : memref<80x128xf32, #tpu.memory_space<vmem>>, vector<16xf32>,
      tpu.vector_store %arg10[%swap3A_236, %swap3A_237], %broadcast_in_dim3A_235 {strides = array<i32>} : memref<80x128xf32, #tpu.memory_space<vmem>>, vector<16xf32>,
      %broadcast_in_dim3A_239 = arith.constant 0.000000e+00 : f32
      %broadcast_in_dim3A_240 = vector.broadcast %broadcast_in_dim3A_239 : f32 to vector<16xf32>
      %swap3A_241 = arith.index_cast %scan3A_213 : i32 to index
      %swap3A_242 = arith.constant 80 : index
      %swap3A_243 = tpu.vector_load %arg10[%swap3A_241, %swap3A_242] {strides = array<i32>} : memref<80x128xf32, #tpu.memory_space<vmem>>, vector<16xf32>,
      tpu.vector_store %arg10[%swap3A_241, %swap3A_242], %broadcast_in_dim3A_240 {strides = array<i32>} : memref<80x128xf32, #tpu.memory_space<vmem>>, vector<16xf32>,
      %broadcast_in_dim3A_244 = arith.constant 0.000000e+00 : f32
      %broadcast_in_dim3A_245 = vector.broadcast %broadcast_in_dim3A_244 : f32 to vector<16xf32>
      %swap3A_246 = arith.index_cast %scan3A_213 : i32 to index
      %swap3A_247 = arith.constant 96 : index
      %swap3A_248 = tpu.vector_load %arg10[%swap3A_246, %swap3A_247] {strides = array<i32>} : memref<80x128xf32, #tpu.memory_space<vmem>>, vector<16xf32>,
      tpu.vector_store %arg10[%swap3A_246, %swap3A_247], %broadcast_in_dim3A_245 {strides = array<i32>} : memref<80x128xf32, #tpu.memory_space<vmem>>, vector<16xf32>,
      %broadcast_in_dim3A_249 = arith.constant 0.000000e+00 : f32
      %broadcast_in_dim3A_250 = vector.broadcast %broadcast_in_dim3A_249 : f32 to vector<16xf32>
      %swap3A_251 = arith.index_cast %scan3A_213 : i32 to index
      %swap3A_252 = arith.constant 112 : index
      %swap3A_253 = tpu.vector_load %arg10[%swap3A_251, %swap3A_252] {strides = array<i32>} : memref<80x128xf32, #tpu.memory_space<vmem>>, vector<16xf32>,
      tpu.vector_store %arg10[%swap3A_251, %swap3A_252], %broadcast_in_dim3A_250 {strides = array<i32>} : memref<80x128xf32, #tpu.memory_space<vmem>>, vector<16xf32>,
    }
    %scan3A_15 = arith.constant 80 : i32
    %iota3A = tpu.iota {dimensions = array<i32: 0>} : vector<16xi32>
    %add3A = arith.constant 0 : i32
    %add3A_16 = vector.broadcast %add3A : i32 to vector<16xi32>
    %add3A_17 = arith.addi %iota3A, %add3A_16 : vector<16xi32>
    %swap3A = arith.constant 0 : i32
    %swap3A_18 = arith.index_cast %swap3A : i32 to index
    %swap3A_19 = arith.constant 0 : index
    %swap3A_20 = tpu.vector_load %arg11[%swap3A_18, %swap3A_19] {strides = array<i32>} : memref<1x80xi32, #tpu.memory_space<vmem>>, vector<16xi32>,
    tpu.vector_store %arg11[%swap3A_18, %swap3A_19], %add3A_17 {strides = array<i32>} : memref<1x80xi32, #tpu.memory_space<vmem>>, vector<16xi32>,
    %iota3A_21 = tpu.iota {dimensions = array<i32: 0>} : vector<16xi32>
    %add3A_22 = arith.constant 16 : i32
    %add3A_23 = vector.broadcast %add3A_22 : i32 to vector<16xi32>
    %add3A_24 = arith.addi %iota3A_21, %add3A_23 : vector<16xi32>
    %swap3A_25 = arith.constant 0 : i32
    %swap3A_26 = arith.index_cast %swap3A_25 : i32 to index
    %swap3A_27 = arith.constant 16 : index
    %swap3A_28 = tpu.vector_load %arg11[%swap3A_26, %swap3A_27] {strides = array<i32>} : memref<1x80xi32, #tpu.memory_space<vmem>>, vector<16xi32>,
    tpu.vector_store %arg11[%swap3A_26, %swap3A_27], %add3A_24 {strides = array<i32>} : memref<1x80xi32, #tpu.memory_space<vmem>>, vector<16xi32>,
    %iota3A_29 = tpu.iota {dimensions = array<i32: 0>} : vector<16xi32>
    %add3A_30 = arith.constant 32 : i32
    %add3A_31 = vector.broadcast %add3A_30 : i32 to vector<16xi32>
    %add3A_32 = arith.addi %iota3A_29, %add3A_31 : vector<16xi32>
    %swap3A_33 = arith.constant 0 : i32
    %swap3A_34 = arith.index_cast %swap3A_33 : i32 to index
    %swap3A_35 = arith.constant 32 : index
    %swap3A_36 = tpu.vector_load %arg11[%swap3A_34, %swap3A_35] {strides = array<i32>} : memref<1x80xi32, #tpu.memory_space<vmem>>, vector<16xi32>,
    tpu.vector_store %arg11[%swap3A_34, %swap3A_35], %add3A_32 {strides = array<i32>} : memref<1x80xi32, #tpu.memory_space<vmem>>, vector<16xi32>,
    %iota3A_37 = tpu.iota {dimensions = array<i32: 0>} : vector<16xi32>
    %add3A_38 = arith.constant 48 : i32
    %add3A_39 = vector.broadcast %add3A_38 : i32 to vector<16xi32>
    %add3A_40 = arith.addi %iota3A_37, %add3A_39 : vector<16xi32>
    %swap3A_41 = arith.constant 0 : i32
    %swap3A_42 = arith.index_cast %swap3A_41 : i32 to index
    %swap3A_43 = arith.constant 48 : index
    %swap3A_44 = tpu.vector_load %arg11[%swap3A_42, %swap3A_43] {strides = array<i32>} : memref<1x80xi32, #tpu.memory_space<vmem>>, vector<16xi32>,
    tpu.vector_store %arg11[%swap3A_42, %swap3A_43], %add3A_40 {strides = array<i32>} : memref<1x80xi32, #tpu.memory_space<vmem>>, vector<16xi32>,
    %iota3A_45 = tpu.iota {dimensions = array<i32: 0>} : vector<16xi32>
    %add3A_46 = arith.constant 64 : i32
    %add3A_47 = vector.broadcast %add3A_46 : i32 to vector<16xi32>
    %add3A_48 = arith.addi %iota3A_45, %add3A_47 : vector<16xi32>
    %swap3A_49 = arith.constant 0 : i32
    %swap3A_50 = arith.index_cast %swap3A_49 : i32 to index
    %swap3A_51 = arith.constant 64 : index
    %swap3A_52 = tpu.vector_load %arg11[%swap3A_50, %swap3A_51] {strides = array<i32>} : memref<1x80xi32, #tpu.memory_space<vmem>>, vector<16xi32>,
    tpu.vector_store %arg11[%swap3A_50, %swap3A_51], %add3A_48 {strides = array<i32>} : memref<1x80xi32, #tpu.memory_space<vmem>>, vector<16xi32>,
    "tpu.region"() ({
      %run_scoped3A_213 = tpu.sem_alloc : memref<!tpu.dma_semaphore, #tpu.memory_space<semaphore_mem>>
      %dma_start3A_214 = arith.constant 0 : i32
      %dma_start3A_215 = tpu.memref_slice %arg6[%mul3A_1, %dma_start3A_214] : memref<10240x128xf32, #tpu.memory_space<vmem_shared>> -> memref<240x128xf32, #tpu.memory_space<vmem_shared>>
      %dma_start3A_216 = arith.constant 0 : i32
      %dma_start3A_217 = tpu.memref_slice %arg6[%mul3A_1, %dma_start3A_216] : memref<10240x128xf32, #tpu.memory_space<vmem_shared>> -> memref<240x128xf32, #tpu.memory_space<vmem_shared>>
      tpu.enqueue_dma source(%arg9 : memref<240x128xf32, #tpu.memory_space<vmem>>) target(%dma_start3A_217 : memref<240x128xf32, #tpu.memory_space<vmem_shared>>) target_semaphore(%run_scoped3A_213 : memref<!tpu.dma_semaphore, #tpu.memory_space<semaphore_mem>>)
      %dma_wait3A_218 = arith.constant 0 : i32
      %dma_wait3A_219 = tpu.memref_slice %arg6[%mul3A_1, %dma_wait3A_218] : memref<10240x128xf32, #tpu.memory_space<vmem_shared>> -> memref<240x128xf32, #tpu.memory_space<vmem_shared>>
      %dma_wait3A_220 = arith.constant 0 : i32
      %dma_wait3A_221 = tpu.memref_slice %arg6[%mul3A_1, %dma_wait3A_220] : memref<10240x128xf32, #tpu.memory_space<vmem_shared>> -> memref<240x128xf32, #tpu.memory_space<vmem_shared>>
      tpu.wait_dma2 semaphore(%run_scoped3A_213 : memref<!tpu.dma_semaphore, #tpu.memory_space<semaphore_mem>>) src(%arg9 : memref<240x128xf32, #tpu.memory_space<vmem>>) dst(%dma_wait3A_221 : memref<240x128xf32, #tpu.memory_space<vmem_shared>>)
      tpu.yield
    }) : () -> ()
    %add3A_53 = arith.constant 240 : i32
    %add3A_54 = arith.addi %mul3A_1, %add3A_53 : i32
    "tpu.region"() ({
      %run_scoped3A_213 = tpu.sem_alloc : memref<!tpu.dma_semaphore, #tpu.memory_space<semaphore_mem>>
      %dma_start3A_214 = arith.constant 0 : i32
      %dma_start3A_215 = tpu.memref_slice %arg6[%add3A_54, %dma_start3A_214] : memref<10240x128xf32, #tpu.memory_space<vmem_shared>> -> memref<240x128xf32, #tpu.memory_space<vmem_shared>>
      %dma_start3A_216 = arith.constant 0 : i32
      %dma_start3A_217 = tpu.memref_slice %arg6[%add3A_54, %dma_start3A_216] : memref<10240x128xf32, #tpu.memory_space<vmem_shared>> -> memref<240x128xf32, #tpu.memory_space<vmem_shared>>
      tpu.enqueue_dma source(%arg9 : memref<240x128xf32, #tpu.memory_space<vmem>>) target(%dma_start3A_217 : memref<240x128xf32, #tpu.memory_space<vmem_shared>>) target_semaphore(%run_scoped3A_213 : memref<!tpu.dma_semaphore, #tpu.memory_space<semaphore_mem>>)
      %dma_wait3A_218 = arith.constant 0 : i32
      %dma_wait3A_219 = tpu.memref_slice %arg6[%add3A_54, %dma_wait3A_218] : memref<10240x128xf32, #tpu.memory_space<vmem_shared>> -> memref<240x128xf32, #tpu.memory_space<vmem_shared>>
      %dma_wait3A_220 = arith.constant 0 : i32
      %dma_wait3A_221 = tpu.memref_slice %arg6[%add3A_54, %dma_wait3A_220] : memref<10240x128xf32, #tpu.memory_space<vmem_shared>> -> memref<240x128xf32, #tpu.memory_space<vmem_shared>>
      tpu.wait_dma2 semaphore(%run_scoped3A_213 : memref<!tpu.dma_semaphore, #tpu.memory_space<semaphore_mem>>) src(%arg9 : memref<240x128xf32, #tpu.memory_space<vmem>>) dst(%dma_wait3A_221 : memref<240x128xf32, #tpu.memory_space<vmem_shared>>)
      tpu.yield
    }) : () -> ()
    %add3A_55 = arith.constant 480 : i32
    %add3A_56 = arith.addi %mul3A_1, %add3A_55 : i32
    "tpu.region"() ({
      %run_scoped3A_213 = tpu.sem_alloc : memref<!tpu.dma_semaphore, #tpu.memory_space<semaphore_mem>>
      %dma_start3A_214 = arith.constant 0 : i32
      %dma_start3A_215 = arith.constant 0 : i32
      %dma_start3A_216 = tpu.memref_slice %arg9[%dma_start3A_214, %dma_start3A_215] : memref<240x128xf32, #tpu.memory_space<vmem>> -> memref<160x128xf32, #tpu.memory_space<vmem>>
      %dma_start3A_217 = arith.constant 0 : i32
      %dma_start3A_218 = tpu.memref_slice %arg6[%add3A_56, %dma_start3A_217] : memref<10240x128xf32, #tpu.memory_space<vmem_shared>> -> memref<160x128xf32, #tpu.memory_space<vmem_shared>>
      %dma_start3A_219 = arith.constant 0 : i32
      %dma_start3A_220 = tpu.memref_slice %arg6[%add3A_56, %dma_start3A_219] : memref<10240x128xf32, #tpu.memory_space<vmem_shared>> -> memref<160x128xf32, #tpu.memory_space<vmem_shared>>
      %dma_start3A_221 = arith.constant 0 : i32
      %dma_start3A_222 = arith.constant 0 : i32
      %dma_start3A_223 = tpu.memref_slice %arg9[%dma_start3A_221, %dma_start3A_222] : memref<240x128xf32, #tpu.memory_space<vmem>> -> memref<160x128xf32, #tpu.memory_space<vmem>>
      tpu.enqueue_dma source(%dma_start3A_223 : memref<160x128xf32, #tpu.memory_space<vmem>>) target(%dma_start3A_220 : memref<160x128xf32, #tpu.memory_space<vmem_shared>>) target_semaphore(%run_scoped3A_213 : memref<!tpu.dma_semaphore, #tpu.memory_space<semaphore_mem>>)
      %dma_wait3A_224 = arith.constant 0 : i32
      %dma_wait3A_225 = arith.constant 0 : i32
      %dma_wait3A_226 = tpu.memref_slice %arg9[%dma_wait3A_224, %dma_wait3A_225] : memref<240x128xf32, #tpu.memory_space<vmem>> -> memref<160x128xf32, #tpu.memory_space<vmem>>
      %dma_wait3A_227 = arith.constant 0 : i32
      %dma_wait3A_228 = tpu.memref_slice %arg6[%add3A_56, %dma_wait3A_227] : memref<10240x128xf32, #tpu.memory_space<vmem_shared>> -> memref<160x128xf32, #tpu.memory_space<vmem_shared>>
      %dma_wait3A_229 = arith.constant 0 : i32
      %dma_wait3A_230 = tpu.memref_slice %arg6[%add3A_56, %dma_wait3A_229] : memref<10240x128xf32, #tpu.memory_space<vmem_shared>> -> memref<160x128xf32, #tpu.memory_space<vmem_shared>>
      %dma_wait3A_231 = arith.constant 0 : i32
      %dma_wait3A_232 = arith.constant 0 : i32
      %dma_wait3A_233 = tpu.memref_slice %arg9[%dma_wait3A_231, %dma_wait3A_232] : memref<240x128xf32, #tpu.memory_space<vmem>> -> memref<160x128xf32, #tpu.memory_space<vmem>>
      tpu.wait_dma2 semaphore(%run_scoped3A_213 : memref<!tpu.dma_semaphore, #tpu.memory_space<semaphore_mem>>) src(%dma_wait3A_233 : memref<160x128xf32, #tpu.memory_space<vmem>>) dst(%dma_wait3A_230 : memref<160x128xf32, #tpu.memory_space<vmem_shared>>)
      tpu.yield
    }) : () -> ()
    %mul3A_57 = arith.constant 5 : i32
    %mul3A_58 = arith.muli %arg1, %mul3A_57 : i32
    "tpu.region"() ({
      %run_scoped3A_213 = tpu.sem_alloc : memref<!tpu.dma_semaphore, #tpu.memory_space<semaphore_mem>>
      %dma_start3A_214 = arith.constant 0 : i32
      %dma_start3A_215 = arith.constant 0 : i32
      %dma_start3A_216 = tpu.memref_slice %arg9[%dma_start3A_214, %dma_start3A_215] : memref<240x128xf32, #tpu.memory_space<vmem>> -> memref<5x128xf32, #tpu.memory_space<vmem>>
      %dma_start3A_217 = arith.constant 0 : i32
      %dma_start3A_218 = tpu.memref_slice %arg7[%mul3A_58, %dma_start3A_217] : memref<80x128xf32, #tpu.memory_space<vmem_shared>> -> memref<5x128xf32, #tpu.memory_space<vmem_shared>>
      %dma_start3A_219 = arith.constant 0 : i32
      %dma_start3A_220 = tpu.memref_slice %arg7[%mul3A_58, %dma_start3A_219] : memref<80x128xf32, #tpu.memory_space<vmem_shared>> -> memref<5x128xf32, #tpu.memory_space<vmem_shared>>
      %dma_start3A_221 = arith.constant 0 : i32
      %dma_start3A_222 = arith.constant 0 : i32
      %dma_start3A_223 = tpu.memref_slice %arg9[%dma_start3A_221, %dma_start3A_222] : memref<240x128xf32, #tpu.memory_space<vmem>> -> memref<5x128xf32, #tpu.memory_space<vmem>>
      tpu.enqueue_dma source(%dma_start3A_223 : memref<5x128xf32, #tpu.memory_space<vmem>>) target(%dma_start3A_220 : memref<5x128xf32, #tpu.memory_space<vmem_shared>>) target_semaphore(%run_scoped3A_213 : memref<!tpu.dma_semaphore, #tpu.memory_space<semaphore_mem>>)
      %dma_wait3A_224 = arith.constant 0 : i32
      %dma_wait3A_225 = arith.constant 0 : i32
      %dma_wait3A_226 = tpu.memref_slice %arg9[%dma_wait3A_224, %dma_wait3A_225] : memref<240x128xf32, #tpu.memory_space<vmem>> -> memref<5x128xf32, #tpu.memory_space<vmem>>
      %dma_wait3A_227 = arith.constant 0 : i32
      %dma_wait3A_228 = tpu.memref_slice %arg7[%mul3A_58, %dma_wait3A_227] : memref<80x128xf32, #tpu.memory_space<vmem_shared>> -> memref<5x128xf32, #tpu.memory_space<vmem_shared>>
      %dma_wait3A_229 = arith.constant 0 : i32
      %dma_wait3A_230 = tpu.memref_slice %arg7[%mul3A_58, %dma_wait3A_229] : memref<80x128xf32, #tpu.memory_space<vmem_shared>> -> memref<5x128xf32, #tpu.memory_space<vmem_shared>>
      %dma_wait3A_231 = arith.constant 0 : i32
      %dma_wait3A_232 = arith.constant 0 : i32
      %dma_wait3A_233 = tpu.memref_slice %arg9[%dma_wait3A_231, %dma_wait3A_232] : memref<240x128xf32, #tpu.memory_space<vmem>> -> memref<5x128xf32, #tpu.memory_space<vmem>>
      tpu.wait_dma2 semaphore(%run_scoped3A_213 : memref<!tpu.dma_semaphore, #tpu.memory_space<semaphore_mem>>) src(%dma_wait3A_233 : memref<5x128xf32, #tpu.memory_space<vmem>>) dst(%dma_wait3A_230 : memref<5x128xf32, #tpu.memory_space<vmem_shared>>)
      tpu.yield
    }) : () -> ()
    %barrier3A = arith.constant 0 : index
    tpu.barrier barrier_id(%barrier3A)
    %add3A_59 = arith.constant 0 : i32
    %add3A_60 = arith.addi %mul3A_3, %add3A_59 : i32
    %mul3A_61 = arith.constant 800 : i32
    %mul3A_62 = arith.muli %add3A_60, %mul3A_61 : i32
    %dma_start3A = arith.constant 0 : i32
    %dma_start3A_63 = arith.constant 0 : i32
    %dma_start3A_64 = arith.constant 0 : i32
    %dma_start3A_65 = arith.constant 0 : i32
    %dma_start3A_66 = tpu.memref_slice %arg8[%dma_start3A_63, %dma_start3A_64, %dma_start3A_65] : memref<2x2x800xi32, #tpu.memory_space<vmem>> -> memref<1x1x800xi32, #tpu.memory_space<vmem>>
    %dma_start3A_67 = tpu.memref_squeeze %dma_start3A_66 : memref<1x1x800xi32, #tpu.memory_space<vmem>> -> memref<800xi32, #tpu.memory_space<vmem>>
    %dma_start3A_68 = tpu.memref_slice %arg3[%dma_start3A, %mul3A_62] : memref<2x320000xi32, #tpu.memory_space<hbm>> -> memref<1x800xi32, #tpu.memory_space<hbm>>
    %dma_start3A_69 = tpu.memref_squeeze %dma_start3A_68 : memref<1x800xi32, #tpu.memory_space<hbm>> -> memref<800xi32, #tpu.memory_space<hbm>>
    %dma_start3A_70 = arith.constant 0 : i32
    %dma_start3A_71 = tpu.memref_slice %arg8[%dma_start3A_63, %dma_start3A_64, %dma_start3A_70] : memref<2x2x800xi32, #tpu.memory_space<vmem>> -> memref<1x1x800xi32, #tpu.memory_space<vmem>>
    %dma_start3A_72 = tpu.memref_squeeze %dma_start3A_71 : memref<1x1x800xi32, #tpu.memory_space<vmem>> -> memref<800xi32, #tpu.memory_space<vmem>>
    %dma_start3A_73 = tpu.memref_slice %arg3[%dma_start3A, %mul3A_62] : memref<2x320000xi32, #tpu.memory_space<hbm>> -> memref<1x800xi32, #tpu.memory_space<hbm>>
    %dma_start3A_74 = tpu.memref_squeeze %dma_start3A_73 : memref<1x800xi32, #tpu.memory_space<hbm>> -> memref<800xi32, #tpu.memory_space<hbm>>
    tpu.enqueue_dma source(%dma_start3A_74 : memref<800xi32, #tpu.memory_space<hbm>>) target(%dma_start3A_72 : memref<800xi32, #tpu.memory_space<vmem>>) target_semaphore(%arg16 : memref<!tpu.dma_semaphore, #tpu.memory_space<semaphore_mem>>)
    %add3A_75 = arith.constant 0 : i32
    %add3A_76 = arith.addi %mul3A_3, %add3A_75 : i32
    %mul3A_77 = arith.constant 800 : i32
    %mul3A_78 = arith.muli %add3A_76, %mul3A_77 : i32
    %dma_start3A_79 = arith.constant 1 : i32
    %dma_start3A_80 = arith.constant 0 : i32
    %dma_start3A_81 = arith.constant 1 : i32
    %dma_start3A_82 = arith.constant 0 : i32
    %dma_start3A_83 = tpu.memref_slice %arg8[%dma_start3A_80, %dma_start3A_81, %dma_start3A_82] : memref<2x2x800xi32, #tpu.memory_space<vmem>> -> memref<1x1x800xi32, #tpu.memory_space<vmem>>
    %dma_start3A_84 = tpu.memref_squeeze %dma_start3A_83 : memref<1x1x800xi32, #tpu.memory_space<vmem>> -> memref<800xi32, #tpu.memory_space<vmem>>
    %dma_start3A_85 = tpu.memref_slice %arg3[%dma_start3A_79, %mul3A_78] : memref<2x320000xi32, #tpu.memory_space<hbm>> -> memref<1x800xi32, #tpu.memory_space<hbm>>
    %dma_start3A_86 = tpu.memref_squeeze %dma_start3A_85 : memref<1x800xi32, #tpu.memory_space<hbm>> -> memref<800xi32, #tpu.memory_space<hbm>>
    %dma_start3A_87 = arith.constant 0 : i32
    %dma_start3A_88 = tpu.memref_slice %arg8[%dma_start3A_80, %dma_start3A_81, %dma_start3A_87] : memref<2x2x800xi32, #tpu.memory_space<vmem>> -> memref<1x1x800xi32, #tpu.memory_space<vmem>>
    %dma_start3A_89 = tpu.memref_squeeze %dma_start3A_88 : memref<1x1x800xi32, #tpu.memory_space<vmem>> -> memref<800xi32, #tpu.memory_space<vmem>>
    %dma_start3A_90 = tpu.memref_slice %arg3[%dma_start3A_79, %mul3A_78] : memref<2x320000xi32, #tpu.memory_space<hbm>> -> memref<1x800xi32, #tpu.memory_space<hbm>>
    %dma_start3A_91 = tpu.memref_squeeze %dma_start3A_90 : memref<1x800xi32, #tpu.memory_space<hbm>> -> memref<800xi32, #tpu.memory_space<hbm>>
    tpu.enqueue_dma source(%dma_start3A_91 : memref<800xi32, #tpu.memory_space<hbm>>) target(%dma_start3A_89 : memref<800xi32, #tpu.memory_space<vmem>>) target_semaphore(%arg16 : memref<!tpu.dma_semaphore, #tpu.memory_space<semaphore_mem>>)
    %add3A_92 = arith.constant 0 : i32
    %add3A_93 = arith.addi %mul3A_3, %add3A_92 : i32
    %mul3A_94 = arith.constant 800 : i32
    %mul3A_95 = arith.muli %add3A_93, %mul3A_94 : i32
    %dma_wait3A = arith.constant 0 : i32
    %dma_wait3A_96 = arith.constant 0 : i32
    %dma_wait3A_97 = arith.constant 0 : i32
    %dma_wait3A_98 = arith.constant 0 : i32
    %dma_wait3A_99 = tpu.memref_slice %arg8[%dma_wait3A_96, %dma_wait3A_97, %dma_wait3A_98] : memref<2x2x800xi32, #tpu.memory_space<vmem>> -> memref<1x1x800xi32, #tpu.memory_space<vmem>>
    %dma_wait3A_100 = tpu.memref_squeeze %dma_wait3A_99 : memref<1x1x800xi32, #tpu.memory_space<vmem>> -> memref<800xi32, #tpu.memory_space<vmem>>
    %dma_wait3A_101 = tpu.memref_slice %arg3[%dma_wait3A, %mul3A_95] : memref<2x320000xi32, #tpu.memory_space<hbm>> -> memref<1x800xi32, #tpu.memory_space<hbm>>
    %dma_wait3A_102 = tpu.memref_squeeze %dma_wait3A_101 : memref<1x800xi32, #tpu.memory_space<hbm>> -> memref<800xi32, #tpu.memory_space<hbm>>
    %dma_wait3A_103 = arith.constant 0 : i32
    %dma_wait3A_104 = tpu.memref_slice %arg8[%dma_wait3A_96, %dma_wait3A_97, %dma_wait3A_103] : memref<2x2x800xi32, #tpu.memory_space<vmem>> -> memref<1x1x800xi32, #tpu.memory_space<vmem>>
    %dma_wait3A_105 = tpu.memref_squeeze %dma_wait3A_104 : memref<1x1x800xi32, #tpu.memory_space<vmem>> -> memref<800xi32, #tpu.memory_space<vmem>>
    %dma_wait3A_106 = tpu.memref_slice %arg3[%dma_wait3A, %mul3A_95] : memref<2x320000xi32, #tpu.memory_space<hbm>> -> memref<1x800xi32, #tpu.memory_space<hbm>>
    %dma_wait3A_107 = tpu.memref_squeeze %dma_wait3A_106 : memref<1x800xi32, #tpu.memory_space<hbm>> -> memref<800xi32, #tpu.memory_space<hbm>>
    tpu.wait_dma2 semaphore(%arg16 : memref<!tpu.dma_semaphore, #tpu.memory_space<semaphore_mem>>) src(%dma_wait3A_107 : memref<800xi32, #tpu.memory_space<hbm>>) dst(%dma_wait3A_105 : memref<800xi32, #tpu.memory_space<vmem>>)
    %add3A_108 = arith.constant 0 : i32
    %add3A_109 = arith.addi %mul3A_3, %add3A_108 : i32
    %mul3A_110 = arith.constant 800 : i32
    %mul3A_111 = arith.muli %add3A_109, %mul3A_110 : i32
    %dma_wait3A_112 = arith.constant 1 : i32
    %dma_wait3A_113 = arith.constant 0 : i32
    %dma_wait3A_114 = arith.constant 1 : i32
    %dma_wait3A_115 = arith.constant 0 : i32
    %dma_wait3A_116 = tpu.memref_slice %arg8[%dma_wait3A_113, %dma_wait3A_114, %dma_wait3A_115] : memref<2x2x800xi32, #tpu.memory_space<vmem>> -> memref<1x1x800xi32, #tpu.memory_space<vmem>>
    %dma_wait3A_117 = tpu.memref_squeeze %dma_wait3A_116 : memref<1x1x800xi32, #tpu.memory_space<vmem>> -> memref<800xi32, #tpu.memory_space<vmem>>
    %dma_wait3A_118 = tpu.memref_slice %arg3[%dma_wait3A_112, %mul3A_111] : memref<2x320000xi32, #tpu.memory_space<hbm>> -> memref<1x800xi32, #tpu.memory_space<hbm>>
    %dma_wait3A_119 = tpu.memref_squeeze %dma_wait3A_118 : memref<1x800xi32, #tpu.memory_space<hbm>> -> memref<800xi32, #tpu.memory_space<hbm>>
    %dma_wait3A_120 = arith.constant 0 : i32
    %dma_wait3A_121 = tpu.memref_slice %arg8[%dma_wait3A_113, %dma_wait3A_114, %dma_wait3A_120] : memref<2x2x800xi32, #tpu.memory_space<vmem>> -> memref<1x1x800xi32, #tpu.memory_space<vmem>>
    %dma_wait3A_122 = tpu.memref_squeeze %dma_wait3A_121 : memref<1x1x800xi32, #tpu.memory_space<vmem>> -> memref<800xi32, #tpu.memory_space<vmem>>
    %dma_wait3A_123 = tpu.memref_slice %arg3[%dma_wait3A_112, %mul3A_111] : memref<2x320000xi32, #tpu.memory_space<hbm>> -> memref<1x800xi32, #tpu.memory_space<hbm>>
    %dma_wait3A_124 = tpu.memref_squeeze %dma_wait3A_123 : memref<1x800xi32, #tpu.memory_space<hbm>> -> memref<800xi32, #tpu.memory_space<hbm>>
    tpu.wait_dma2 semaphore(%arg16 : memref<!tpu.dma_semaphore, #tpu.memory_space<semaphore_mem>>) src(%dma_wait3A_124 : memref<800xi32, #tpu.memory_space<hbm>>) dst(%dma_wait3A_122 : memref<800xi32, #tpu.memory_space<vmem>>)
    %rem3A = arith.constant 0 : i32
    %rem3A_125 = arith.constant 2 : i32
    %rem3A_126 = arith.remsi %rem3A, %rem3A_125 : i32
    %rem3A_127 = arith.constant 0 : i32
    %rem3A_128 = arith.constant 3 : i32
    %rem3A_129 = arith.remsi %rem3A_127, %rem3A_128 : i32
    %mul3A_130 = arith.constant 80 : i32
    %mul3A_131 = arith.muli %rem3A_129, %mul3A_130 : i32
    %dma_start3A_132 = arith.constant 0 : i32
    %dma_start3A_133 = tpu.memref_slice %arg9[%mul3A_131, %dma_start3A_132] : memref<240x128xf32, #tpu.memory_space<vmem>> -> memref<80x128xf32, #tpu.memory_space<vmem>>
    %dma_start3A_134 = arith.constant 0 : i32
    %dma_start3A_135 = tpu.memref_slice %arg8[%rem3A_126, %sub3A_0, %dma_start3A_134] : memref<2x2x800xi32, #tpu.memory_space<vmem>> -> memref<1x1x80xi32, #tpu.memory_space<vmem>>
    %dma_start3A_136 = tpu.memref_squeeze %dma_start3A_135 : memref<1x1x80xi32, #tpu.memory_space<vmem>> -> memref<80xi32, #tpu.memory_space<vmem>>
    %dma_start3A_137 = arith.constant 0 : i32
    %dma_start3A_138 = arith.constant 0 : i32
    %dma_start3A_139 = tpu.memref_slice %arg2[%dma_start3A_137, %dma_start3A_138] : memref<10000x128xf32, #tpu.memory_space<hbm>> -> memref<10000x128xf32, #tpu.memory_space<hbm>>
    tpu.enqueue_indirect_dma source(%dma_start3A_139 : memref<10000x128xf32, #tpu.memory_space<hbm>>) target(%dma_start3A_133 : memref<80x128xf32, #tpu.memory_space<vmem>>) offsets(%dma_start3A_136 : memref<80xi32, #tpu.memory_space<vmem>>) semaphore(%arg12 : memref<!tpu.dma_semaphore, #tpu.memory_space<semaphore_mem>>)
    %rem3A_140 = arith.constant 0 : i32
    %rem3A_141 = arith.constant 2 : i32
    %rem3A_142 = arith.remsi %rem3A_140, %rem3A_141 : i32
    %rem3A_143 = arith.constant 1 : i32
    %rem3A_144 = arith.constant 3 : i32
    %rem3A_145 = arith.remsi %rem3A_143, %rem3A_144 : i32
    %mul3A_146 = arith.constant 80 : i32
    %mul3A_147 = arith.muli %rem3A_145, %mul3A_146 : i32
    %dma_start3A_148 = arith.constant 0 : i32
    %dma_start3A_149 = tpu.memref_slice %arg9[%mul3A_147, %dma_start3A_148] : memref<240x128xf32, #tpu.memory_space<vmem>> -> memref<80x128xf32, #tpu.memory_space<vmem>>
    %dma_start3A_150 = arith.constant 80 : i32
    %dma_start3A_151 = tpu.memref_slice %arg8[%rem3A_142, %sub3A_0, %dma_start3A_150] : memref<2x2x800xi32, #tpu.memory_space<vmem>> -> memref<1x1x80xi32, #tpu.memory_space<vmem>>
    %dma_start3A_152 = tpu.memref_squeeze %dma_start3A_151 : memref<1x1x80xi32, #tpu.memory_space<vmem>> -> memref<80xi32, #tpu.memory_space<vmem>>
    %dma_start3A_153 = arith.constant 0 : i32
    %dma_start3A_154 = arith.constant 0 : i32
    %dma_start3A_155 = tpu.memref_slice %arg2[%dma_start3A_153, %dma_start3A_154] : memref<10000x128xf32, #tpu.memory_space<hbm>> -> memref<10000x128xf32, #tpu.memory_space<hbm>>
    tpu.enqueue_indirect_dma source(%dma_start3A_155 : memref<10000x128xf32, #tpu.memory_space<hbm>>) target(%dma_start3A_149 : memref<80x128xf32, #tpu.memory_space<vmem>>) offsets(%dma_start3A_152 : memref<80xi32, #tpu.memory_space<vmem>>) semaphore(%arg13 : memref<!tpu.dma_semaphore, #tpu.memory_space<semaphore_mem>>)
    %scan3A_156 = arith.constant 0 : i32
    %scan3A_157 = arith.constant 0 : i32
    %scan3A_158 = arith.constant 125 : i32
    %scan3A_159 = arith.addi %scan3A_157, %scan3A_158 : i32
    %scan3A_160 = arith.constant 1 : i32
    scf.for %scan3A_213 = %scan3A_157 to %scan3A_159 step %scan3A_160  : i32 {
      %mul3A_214 = arith.constant 2 : i32
      %mul3A_215 = arith.muli %mul3A_214, %scan3A_213 : i32
      %add3A_216 = arith.constant 0 : i32
      %add3A_217 = arith.addi %mul3A_215, %add3A_216 : i32
      %jit3A_218 = arith.constant 10 : i32
      %div3A_219 = arith.divsi %add3A_217, %jit3A_218 : i32
      %sign3A_220 = arith.constant 0 : i32
      %sign3A_221 = arith.cmpi sgt, %add3A_217, %sign3A_220 : i32
      %sign3A_222 = arith.extui %sign3A_221 : i1 to i32
      %sign3A_223 = arith.constant 0 : i32
      %sign3A_224 = arith.cmpi slt, %add3A_217, %sign3A_223 : i32
      %sign3A_225 = arith.extui %sign3A_224 : i1 to i32
      %sign3A_226 = arith.subi %sign3A_222, %sign3A_225 : i32
      %sign3A_227 = arith.constant 0 : i32
      %sign3A_228 = arith.cmpi sgt, %jit3A_218, %sign3A_227 : i32
      %sign3A_229 = arith.extui %sign3A_228 : i1 to i32
      %sign3A_230 = arith.constant 0 : i32
      %sign3A_231 = arith.cmpi slt, %jit3A_218, %sign3A_230 : i32
      %sign3A_232 = arith.extui %sign3A_231 : i1 to i32
      %sign3A_233 = arith.subi %sign3A_229, %sign3A_232 : i32
      %ne3A_234 = arith.cmpi ne, %sign3A_226, %sign3A_233 : i32
      %rem3A_235 = arith.remsi %add3A_217, %jit3A_218 : i32
      %ne3A_236 = arith.constant 0 : i32
      %ne3A_237 = arith.cmpi ne, %rem3A_235, %ne3A_236 : i32
      %and3A_238 = arith.andi %ne3A_234, %ne3A_237 : i1
      %sub3A_239 = arith.constant 1 : i32
      %sub3A_240 = arith.subi %div3A_219, %sub3A_239 : i32
      %select_n3A_241 = arith.select %and3A_238, %sub3A_240, %div3A_219 : i32
      %rem3A_242 = arith.constant 2 : i32
      %rem3A_243 = arith.remsi %select_n3A_241, %rem3A_242 : i32
      %mul3A_244 = arith.constant 10 : i32
      %mul3A_245 = arith.muli %select_n3A_241, %mul3A_244 : i32
      %sub3A_246 = arith.subi %add3A_217, %mul3A_245 : i32
      %rem3A_247 = arith.constant 3 : i32
      %rem3A_248 = arith.remsi %add3A_217, %rem3A_247 : i32
      %mul3A_249 = arith.constant 80 : i32
      %mul3A_250 = arith.muli %rem3A_248, %mul3A_249 : i32
      %mul3A_251 = arith.constant 80 : i32
      %mul3A_252 = arith.muli %sub3A_246, %mul3A_251 : i32
      %dma_wait3A_253 = arith.constant 0 : i32
      %dma_wait3A_254 = tpu.memref_slice %arg9[%mul3A_250, %dma_wait3A_253] : memref<240x128xf32, #tpu.memory_space<vmem>> -> memref<80x128xf32, #tpu.memory_space<vmem>>
      %dma_wait3A_255 = tpu.memref_slice %arg8[%rem3A_243, %sub3A_0, %mul3A_252] : memref<2x2x800xi32, #tpu.memory_space<vmem>> -> memref<1x1x80xi32, #tpu.memory_space<vmem>>
      %dma_wait3A_256 = tpu.memref_squeeze %dma_wait3A_255 : memref<1x1x80xi32, #tpu.memory_space<vmem>> -> memref<80xi32, #tpu.memory_space<vmem>>
      %dma_wait3A_257 = arith.constant 0 : i32
      %dma_wait3A_258 = arith.constant 0 : i32
      %dma_wait3A_259 = tpu.memref_slice %arg2[%dma_wait3A_257, %dma_wait3A_258] : memref<10000x128xf32, #tpu.memory_space<hbm>> -> memref<10000x128xf32, #tpu.memory_space<hbm>>
      tpu.wait_indirect_dma semaphore(%arg12 : memref<!tpu.dma_semaphore, #tpu.memory_space<semaphore_mem>>) src(%dma_wait3A_259 : memref<10000x128xf32, #tpu.memory_space<hbm>>) dst(%dma_wait3A_254 : memref<80x128xf32, #tpu.memory_space<vmem>>)
      %jit3A_260 = arith.constant 10 : i32
      %div3A_261 = arith.divsi %add3A_217, %jit3A_260 : i32
      %sign3A_262 = arith.constant 0 : i32
      %sign3A_263 = arith.cmpi sgt, %add3A_217, %sign3A_262 : i32
      %sign3A_264 = arith.extui %sign3A_263 : i1 to i32
      %sign3A_265 = arith.constant 0 : i32
      %sign3A_266 = arith.cmpi slt, %add3A_217, %sign3A_265 : i32
      %sign3A_267 = arith.extui %sign3A_266 : i1 to i32
      %sign3A_268 = arith.subi %sign3A_264, %sign3A_267 : i32
      %sign3A_269 = arith.constant 0 : i32
      %sign3A_270 = arith.cmpi sgt, %jit3A_260, %sign3A_269 : i32
      %sign3A_271 = arith.extui %sign3A_270 : i1 to i32
      %sign3A_272 = arith.constant 0 : i32
      %sign3A_273 = arith.cmpi slt, %jit3A_260, %sign3A_272 : i32
      %sign3A_274 = arith.extui %sign3A_273 : i1 to i32
      %sign3A_275 = arith.subi %sign3A_271, %sign3A_274 : i32
      %ne3A_276 = arith.cmpi ne, %sign3A_268, %sign3A_275 : i32
      %rem3A_277 = arith.remsi %add3A_217, %jit3A_260 : i32
      %ne3A_278 = arith.constant 0 : i32
      %ne3A_279 = arith.cmpi ne, %rem3A_277, %ne3A_278 : i32
      %and3A_280 = arith.andi %ne3A_276, %ne3A_279 : i1
      %sub3A_281 = arith.constant 1 : i32
      %sub3A_282 = arith.subi %div3A_261, %sub3A_281 : i32
      %select_n3A_283 = arith.select %and3A_280, %sub3A_282, %div3A_261 : i32
      %rem3A_284 = arith.constant 2 : i32
      %rem3A_285 = arith.remsi %select_n3A_283, %rem3A_284 : i32
      %mul3A_286 = arith.constant 10 : i32
      %mul3A_287 = arith.muli %select_n3A_283, %mul3A_286 : i32
      %sub3A_288 = arith.subi %add3A_217, %mul3A_287 : i32
      %rem3A_289 = arith.constant 3 : i32
      %rem3A_290 = arith.remsi %add3A_217, %rem3A_289 : i32
      %mul3A_291 = arith.constant 80 : i32
      %mul3A_292 = arith.muli %rem3A_290, %mul3A_291 : i32
      %mul3A_293 = arith.constant 80 : i32
      %mul3A_294 = arith.muli %sub3A_288, %mul3A_293 : i32
      %dma_start3A_295 = arith.constant 0 : i32
      %dma_start3A_296 = tpu.memref_slice %arg9[%mul3A_292, %dma_start3A_295] : memref<240x128xf32, #tpu.memory_space<vmem>> -> memref<80x128xf32, #tpu.memory_space<vmem>>
      %dma_start3A_297 = tpu.memref_slice %arg8[%rem3A_285, %arg0, %mul3A_294] : memref<2x2x800xi32, #tpu.memory_space<vmem>> -> memref<1x1x80xi32, #tpu.memory_space<vmem>>
      %dma_start3A_298 = tpu.memref_squeeze %dma_start3A_297 : memref<1x1x80xi32, #tpu.memory_space<vmem>> -> memref<80xi32, #tpu.memory_space<vmem>>
      %dma_start3A_299 = arith.constant 0 : i32
      %dma_start3A_300 = arith.constant 0 : i32
      %dma_start3A_301 = tpu.memref_slice %arg6[%dma_start3A_299, %dma_start3A_300] : memref<10240x128xf32, #tpu.memory_space<vmem_shared>> -> memref<10240x128xf32, #tpu.memory_space<vmem_shared>>
      tpu.enqueue_indirect_dma source(%dma_start3A_296 : memref<80x128xf32, #tpu.memory_space<vmem>>) target(%dma_start3A_301 : memref<10240x128xf32, #tpu.memory_space<vmem_shared>>) offsets(%dma_start3A_298 : memref<80xi32, #tpu.memory_space<vmem>>) semaphore(%arg14 : memref<!tpu.dma_semaphore, #tpu.memory_space<semaphore_mem>>) {add = true}
      %jit3A_302 = arith.constant 10 : i32
      %div3A_303 = arith.divsi %add3A_217, %jit3A_302 : i32
      %sign3A_304 = arith.constant 0 : i32
      %sign3A_305 = arith.cmpi sgt, %add3A_217, %sign3A_304 : i32
      %sign3A_306 = arith.extui %sign3A_305 : i1 to i32
      %sign3A_307 = arith.constant 0 : i32
      %sign3A_308 = arith.cmpi slt, %add3A_217, %sign3A_307 : i32
      %sign3A_309 = arith.extui %sign3A_308 : i1 to i32
      %sign3A_310 = arith.subi %sign3A_306, %sign3A_309 : i32
      %sign3A_311 = arith.constant 0 : i32
      %sign3A_312 = arith.cmpi sgt, %jit3A_302, %sign3A_311 : i32
      %sign3A_313 = arith.extui %sign3A_312 : i1 to i32
      %sign3A_314 = arith.constant 0 : i32
      %sign3A_315 = arith.cmpi slt, %jit3A_302, %sign3A_314 : i32
      %sign3A_316 = arith.extui %sign3A_315 : i1 to i32
      %sign3A_317 = arith.subi %sign3A_313, %sign3A_316 : i32
      %ne3A_318 = arith.cmpi ne, %sign3A_310, %sign3A_317 : i32
      %rem3A_319 = arith.remsi %add3A_217, %jit3A_302 : i32
      %ne3A_320 = arith.constant 0 : i32
      %ne3A_321 = arith.cmpi ne, %rem3A_319, %ne3A_320 : i32
      %and3A_322 = arith.andi %ne3A_318, %ne3A_321 : i1
      %sub3A_323 = arith.constant 1 : i32
      %sub3A_324 = arith.subi %div3A_303, %sub3A_323 : i32
      %select_n3A_325 = arith.select %and3A_322, %sub3A_324, %div3A_303 : i32
      %rem3A_326 = arith.constant 2 : i32
      %rem3A_327 = arith.remsi %select_n3A_325, %rem3A_326 : i32
      %mul3A_328 = arith.constant 10 : i32
      %mul3A_329 = arith.muli %select_n3A_325, %mul3A_328 : i32
      %sub3A_330 = arith.subi %add3A_217, %mul3A_329 : i32
      %rem3A_331 = arith.constant 3 : i32
      %rem3A_332 = arith.remsi %add3A_217, %rem3A_331 : i32
      %mul3A_333 = arith.constant 80 : i32
      %mul3A_334 = arith.muli %rem3A_332, %mul3A_333 : i32
      %mul3A_335 = arith.constant 80 : i32
      %mul3A_336 = arith.muli %sub3A_330, %mul3A_335 : i32
      %add3A_337 = arith.constant 0 : i32
      %add3A_338 = arith.addi %mul3A_336, %add3A_337 : i32
      %get3A = arith.index_cast %rem3A_327 : i32 to index
      %get3A_339 = arith.index_cast %arg0 : i32 to index
      %get3A_340 = arith.index_cast %add3A_338 : i32 to index
      %get3A_341 = tpu.vector_load %arg8[%get3A, %get3A_339, %get3A_340] {strides = array<i32>} : memref<2x2x800xi32, #tpu.memory_space<vmem>>, vector<16xi32>,
      %shift_right_logical3A = arith.constant 7 : i32
      %shift_right_logical3A_342 = vector.broadcast %shift_right_logical3A : i32 to vector<16xi32>
      %shift_right_logical3A_343 = arith.shrui %get3A_341, %shift_right_logical3A_342 : vector<16xi32>
      %and3A_344 = arith.constant 127 : i32
      %and3A_345 = vector.broadcast %and3A_344 : i32 to vector<16xi32>
      %and3A_346 = arith.andi %get3A_341, %and3A_345 : vector<16xi32>
      tpu.vector_store_idx %arg10[%shift_right_logical3A_343, %and3A_346], %broadcast_in_dim3A_4 {add = true} : memref<80x128xf32, #tpu.memory_space<vmem>>[vector<16xi32>, vector<16xi32>], vector<16xf32>,
      %mul3A_347 = arith.constant 80 : i32
      %mul3A_348 = arith.muli %sub3A_330, %mul3A_347 : i32
      %add3A_349 = arith.constant 16 : i32
      %add3A_350 = arith.addi %mul3A_348, %add3A_349 : i32
      %get3A_351 = arith.index_cast %rem3A_327 : i32 to index
      %get3A_352 = arith.index_cast %arg0 : i32 to index
      %get3A_353 = arith.index_cast %add3A_350 : i32 to index
      %get3A_354 = tpu.vector_load %arg8[%get3A_351, %get3A_352, %get3A_353] {strides = array<i32>} : memref<2x2x800xi32, #tpu.memory_space<vmem>>, vector<16xi32>,
      %shift_right_logical3A_355 = arith.constant 7 : i32
      %shift_right_logical3A_356 = vector.broadcast %shift_right_logical3A_355 : i32 to vector<16xi32>
      %shift_right_logical3A_357 = arith.shrui %get3A_354, %shift_right_logical3A_356 : vector<16xi32>
      %and3A_358 = arith.constant 127 : i32
      %and3A_359 = vector.broadcast %and3A_358 : i32 to vector<16xi32>
      %and3A_360 = arith.andi %get3A_354, %and3A_359 : vector<16xi32>
      tpu.vector_store_idx %arg10[%shift_right_logical3A_357, %and3A_360], %broadcast_in_dim3A_4 {add = true} : memref<80x128xf32, #tpu.memory_space<vmem>>[vector<16xi32>, vector<16xi32>], vector<16xf32>,
      %mul3A_361 = arith.constant 80 : i32
      %mul3A_362 = arith.muli %sub3A_330, %mul3A_361 : i32
      %add3A_363 = arith.constant 32 : i32
      %add3A_364 = arith.addi %mul3A_362, %add3A_363 : i32
      %get3A_365 = arith.index_cast %rem3A_327 : i32 to index
      %get3A_366 = arith.index_cast %arg0 : i32 to index
      %get3A_367 = arith.index_cast %add3A_364 : i32 to index
      %get3A_368 = tpu.vector_load %arg8[%get3A_365, %get3A_366, %get3A_367] {strides = array<i32>} : memref<2x2x800xi32, #tpu.memory_space<vmem>>, vector<16xi32>,
      %shift_right_logical3A_369 = arith.constant 7 : i32
      %shift_right_logical3A_370 = vector.broadcast %shift_right_logical3A_369 : i32 to vector<16xi32>
      %shift_right_logical3A_371 = arith.shrui %get3A_368, %shift_right_logical3A_370 : vector<16xi32>
      %and3A_372 = arith.constant 127 : i32
      %and3A_373 = vector.broadcast %and3A_372 : i32 to vector<16xi32>
      %and3A_374 = arith.andi %get3A_368, %and3A_373 : vector<16xi32>
      tpu.vector_store_idx %arg10[%shift_right_logical3A_371, %and3A_374], %broadcast_in_dim3A_4 {add = true} : memref<80x128xf32, #tpu.memory_space<vmem>>[vector<16xi32>, vector<16xi32>], vector<16xf32>,
      %mul3A_375 = arith.constant 80 : i32
      %mul3A_376 = arith.muli %sub3A_330, %mul3A_375 : i32
      %add3A_377 = arith.constant 48 : i32
      %add3A_378 = arith.addi %mul3A_376, %add3A_377 : i32
      %get3A_379 = arith.index_cast %rem3A_327 : i32 to index
      %get3A_380 = arith.index_cast %arg0 : i32 to index
      %get3A_381 = arith.index_cast %add3A_378 : i32 to index
      %get3A_382 = tpu.vector_load %arg8[%get3A_379, %get3A_380, %get3A_381] {strides = array<i32>} : memref<2x2x800xi32, #tpu.memory_space<vmem>>, vector<16xi32>,
      %shift_right_logical3A_383 = arith.constant 7 : i32
      %shift_right_logical3A_384 = vector.broadcast %shift_right_logical3A_383 : i32 to vector<16xi32>
      %shift_right_logical3A_385 = arith.shrui %get3A_382, %shift_right_logical3A_384 : vector<16xi32>
      %and3A_386 = arith.constant 127 : i32
      %and3A_387 = vector.broadcast %and3A_386 : i32 to vector<16xi32>
      %and3A_388 = arith.andi %get3A_382, %and3A_387 : vector<16xi32>
      tpu.vector_store_idx %arg10[%shift_right_logical3A_385, %and3A_388], %broadcast_in_dim3A_4 {add = true} : memref<80x128xf32, #tpu.memory_space<vmem>>[vector<16xi32>, vector<16xi32>], vector<16xf32>,
      %mul3A_389 = arith.constant 80 : i32
      %mul3A_390 = arith.muli %sub3A_330, %mul3A_389 : i32
      %add3A_391 = arith.constant 64 : i32
      %add3A_392 = arith.addi %mul3A_390, %add3A_391 : i32
      %get3A_393 = arith.index_cast %rem3A_327 : i32 to index
      %get3A_394 = arith.index_cast %arg0 : i32 to index
      %get3A_395 = arith.index_cast %add3A_392 : i32 to index
      %get3A_396 = tpu.vector_load %arg8[%get3A_393, %get3A_394, %get3A_395] {strides = array<i32>} : memref<2x2x800xi32, #tpu.memory_space<vmem>>, vector<16xi32>,
      %shift_right_logical3A_397 = arith.constant 7 : i32
      %shift_right_logical3A_398 = vector.broadcast %shift_right_logical3A_397 : i32 to vector<16xi32>
      %shift_right_logical3A_399 = arith.shrui %get3A_396, %shift_right_logical3A_398 : vector<16xi32>
      %and3A_400 = arith.constant 127 : i32
      %and3A_401 = vector.broadcast %and3A_400 : i32 to vector<16xi32>
      %and3A_402 = arith.andi %get3A_396, %and3A_401 : vector<16xi32>
      tpu.vector_store_idx %arg10[%shift_right_logical3A_399, %and3A_402], %broadcast_in_dim3A_4 {add = true} : memref<80x128xf32, #tpu.memory_space<vmem>>[vector<16xi32>, vector<16xi32>], vector<16xf32>,
      %ge3A = arith.constant 1 : i32
      %ge3A_403 = arith.cmpi sge, %add3A_217, %ge3A : i32
      %convert_element_type3A = arith.extui %ge3A_403 : i1 to i32
      %cond3A = arith.constant 0 : i32
      %cond3A_404 = arith.cmpi ne, %convert_element_type3A, %cond3A : i32
      scf.if %cond3A_404 {
        %sub3A_687 = arith.constant 1 : i32
        %sub3A_688 = arith.subi %add3A_217, %sub3A_687 : i32
        %jit3A_689 = arith.constant 10 : i32
        %div3A_690 = arith.divsi %sub3A_688, %jit3A_689 : i32
        %sign3A_691 = arith.constant 0 : i32
        %sign3A_692 = arith.cmpi sgt, %sub3A_688, %sign3A_691 : i32
        %sign3A_693 = arith.extui %sign3A_692 : i1 to i32
        %sign3A_694 = arith.constant 0 : i32
        %sign3A_695 = arith.cmpi slt, %sub3A_688, %sign3A_694 : i32
        %sign3A_696 = arith.extui %sign3A_695 : i1 to i32
        %sign3A_697 = arith.subi %sign3A_693, %sign3A_696 : i32
        %sign3A_698 = arith.constant 0 : i32
        %sign3A_699 = arith.cmpi sgt, %jit3A_689, %sign3A_698 : i32
        %sign3A_700 = arith.extui %sign3A_699 : i1 to i32
        %sign3A_701 = arith.constant 0 : i32
        %sign3A_702 = arith.cmpi slt, %jit3A_689, %sign3A_701 : i32
        %sign3A_703 = arith.extui %sign3A_702 : i1 to i32
        %sign3A_704 = arith.subi %sign3A_700, %sign3A_703 : i32
        %ne3A_705 = arith.cmpi ne, %sign3A_697, %sign3A_704 : i32
        %rem3A_706 = arith.remsi %sub3A_688, %jit3A_689 : i32
        %ne3A_707 = arith.constant 0 : i32
        %ne3A_708 = arith.cmpi ne, %rem3A_706, %ne3A_707 : i32
        %and3A_709 = arith.andi %ne3A_705, %ne3A_708 : i1
        %sub3A_710 = arith.constant 1 : i32
        %sub3A_711 = arith.subi %div3A_690, %sub3A_710 : i32
        %select_n3A_712 = arith.select %and3A_709, %sub3A_711, %div3A_690 : i32
        %rem3A_713 = arith.constant 2 : i32
        %rem3A_714 = arith.remsi %select_n3A_712, %rem3A_713 : i32
        %mul3A_715 = arith.constant 10 : i32
        %mul3A_716 = arith.muli %select_n3A_712, %mul3A_715 : i32
        %sub3A_717 = arith.subi %sub3A_688, %mul3A_716 : i32
        %rem3A_718 = arith.constant 3 : i32
        %rem3A_719 = arith.remsi %sub3A_688, %rem3A_718 : i32
        %mul3A_720 = arith.constant 80 : i32
        %mul3A_721 = arith.muli %rem3A_719, %mul3A_720 : i32
        %mul3A_722 = arith.constant 80 : i32
        %mul3A_723 = arith.muli %sub3A_717, %mul3A_722 : i32
        %dma_wait3A_724 = arith.constant 0 : i32
        %dma_wait3A_725 = tpu.memref_slice %arg9[%mul3A_721, %dma_wait3A_724] : memref<240x128xf32, #tpu.memory_space<vmem>> -> memref<80x128xf32, #tpu.memory_space<vmem>>
        %dma_wait3A_726 = tpu.memref_slice %arg8[%rem3A_714, %arg0, %mul3A_723] : memref<2x2x800xi32, #tpu.memory_space<vmem>> -> memref<1x1x80xi32, #tpu.memory_space<vmem>>
        %dma_wait3A_727 = tpu.memref_squeeze %dma_wait3A_726 : memref<1x1x80xi32, #tpu.memory_space<vmem>> -> memref<80xi32, #tpu.memory_space<vmem>>
        %dma_wait3A_728 = arith.constant 0 : i32
        %dma_wait3A_729 = arith.constant 0 : i32
        %dma_wait3A_730 = tpu.memref_slice %arg6[%dma_wait3A_728, %dma_wait3A_729] : memref<10240x128xf32, #tpu.memory_space<vmem_shared>> -> memref<10240x128xf32, #tpu.memory_space<vmem_shared>>
        tpu.wait_indirect_dma semaphore(%arg15 : memref<!tpu.dma_semaphore, #tpu.memory_space<semaphore_mem>>) src(%dma_wait3A_725 : memref<80x128xf32, #tpu.memory_space<vmem>>) dst(%dma_wait3A_730 : memref<10240x128xf32, #tpu.memory_space<vmem_shared>>)
      } else {
      }
      %jit3A_405 = arith.constant 10 : i32
      %div3A_406 = arith.divsi %add3A_217, %jit3A_405 : i32
      %sign3A_407 = arith.constant 0 : i32
      %sign3A_408 = arith.cmpi sgt, %add3A_217, %sign3A_407 : i32
      %sign3A_409 = arith.extui %sign3A_408 : i1 to i32
      %sign3A_410 = arith.constant 0 : i32
      %sign3A_411 = arith.cmpi slt, %add3A_217, %sign3A_410 : i32
      %sign3A_412 = arith.extui %sign3A_411 : i1 to i32
      %sign3A_413 = arith.subi %sign3A_409, %sign3A_412 : i32
      %sign3A_414 = arith.constant 0 : i32
      %sign3A_415 = arith.cmpi sgt, %jit3A_405, %sign3A_414 : i32
      %sign3A_416 = arith.extui %sign3A_415 : i1 to i32
      %sign3A_417 = arith.constant 0 : i32
      %sign3A_418 = arith.cmpi slt, %jit3A_405, %sign3A_417 : i32
      %sign3A_419 = arith.extui %sign3A_418 : i1 to i32
      %sign3A_420 = arith.subi %sign3A_416, %sign3A_419 : i32
      %ne3A_421 = arith.cmpi ne, %sign3A_413, %sign3A_420 : i32
      %rem3A_422 = arith.remsi %add3A_217, %jit3A_405 : i32
      %ne3A_423 = arith.constant 0 : i32
      %ne3A_424 = arith.cmpi ne, %rem3A_422, %ne3A_423 : i32
      %and3A_425 = arith.andi %ne3A_421, %ne3A_424 : i1
      %sub3A_426 = arith.constant 1 : i32
      %sub3A_427 = arith.subi %div3A_406, %sub3A_426 : i32
      %select_n3A_428 = arith.select %and3A_425, %sub3A_427, %div3A_406 : i32
      %mul3A_429 = arith.constant 10 : i32
      %mul3A_430 = arith.muli %select_n3A_428, %mul3A_429 : i32
      %sub3A_431 = arith.subi %add3A_217, %mul3A_430 : i32
      %eq3A = arith.constant 0 : i32
      %eq3A_432 = arith.cmpi eq, %sub3A_431, %eq3A : i32
      %add3A_433 = arith.constant 1 : i32
      %add3A_434 = arith.addi %select_n3A_428, %add3A_433 : i32
      %lt3A = arith.constant 25 : i32
      %lt3A_435 = arith.cmpi slt, %add3A_434, %lt3A : i32
      %and3A_436 = arith.andi %eq3A_432, %lt3A_435 : i1
      %convert_element_type3A_437 = arith.extui %and3A_436 : i1 to i32
      %cond3A_438 = arith.constant 0 : i32
      %cond3A_439 = arith.cmpi ne, %convert_element_type3A_437, %cond3A_438 : i32
      scf.if %cond3A_439 {
        %add3A_687 = arith.constant 1 : i32
        %add3A_688 = arith.addi %select_n3A_428, %add3A_687 : i32
        %rem3A_689 = arith.constant 2 : i32
        %rem3A_690 = arith.remsi %select_n3A_428, %rem3A_689 : i32
        %sub3A_691 = arith.constant 1 : i32
        %sub3A_692 = arith.subi %sub3A_691, %rem3A_690 : i32
        %add3A_693 = arith.addi %mul3A_3, %add3A_688 : i32
        %mul3A_694 = arith.constant 800 : i32
        %mul3A_695 = arith.muli %add3A_693, %mul3A_694 : i32
        %dma_start3A_696 = arith.constant 0 : i32
        %dma_start3A_697 = arith.constant 0 : i32
        %dma_start3A_698 = arith.constant 0 : i32
        %dma_start3A_699 = tpu.memref_slice %arg8[%sub3A_692, %dma_start3A_697, %dma_start3A_698] : memref<2x2x800xi32, #tpu.memory_space<vmem>> -> memref<1x1x800xi32, #tpu.memory_space<vmem>>
        %dma_start3A_700 = tpu.memref_squeeze %dma_start3A_699 : memref<1x1x800xi32, #tpu.memory_space<vmem>> -> memref<800xi32, #tpu.memory_space<vmem>>
        %dma_start3A_701 = tpu.memref_slice %arg3[%dma_start3A_696, %mul3A_695] : memref<2x320000xi32, #tpu.memory_space<hbm>> -> memref<1x800xi32, #tpu.memory_space<hbm>>
        %dma_start3A_702 = tpu.memref_squeeze %dma_start3A_701 : memref<1x800xi32, #tpu.memory_space<hbm>> -> memref<800xi32, #tpu.memory_space<hbm>>
        %dma_start3A_703 = arith.constant 0 : i32
        %dma_start3A_704 = tpu.memref_slice %arg8[%sub3A_692, %dma_start3A_697, %dma_start3A_703] : memref<2x2x800xi32, #tpu.memory_space<vmem>> -> memref<1x1x800xi32, #tpu.memory_space<vmem>>
        %dma_start3A_705 = tpu.memref_squeeze %dma_start3A_704 : memref<1x1x800xi32, #tpu.memory_space<vmem>> -> memref<800xi32, #tpu.memory_space<vmem>>
        %dma_start3A_706 = tpu.memref_slice %arg3[%dma_start3A_696, %mul3A_695] : memref<2x320000xi32, #tpu.memory_space<hbm>> -> memref<1x800xi32, #tpu.memory_space<hbm>>
        %dma_start3A_707 = tpu.memref_squeeze %dma_start3A_706 : memref<1x800xi32, #tpu.memory_space<hbm>> -> memref<800xi32, #tpu.memory_space<hbm>>
        tpu.enqueue_dma source(%dma_start3A_707 : memref<800xi32, #tpu.memory_space<hbm>>) target(%dma_start3A_705 : memref<800xi32, #tpu.memory_space<vmem>>) target_semaphore(%arg16 : memref<!tpu.dma_semaphore, #tpu.memory_space<semaphore_mem>>)
        %add3A_708 = arith.addi %mul3A_3, %add3A_688 : i32
        %mul3A_709 = arith.constant 800 : i32
        %mul3A_710 = arith.muli %add3A_708, %mul3A_709 : i32
        %dma_start3A_711 = arith.constant 1 : i32
        %dma_start3A_712 = arith.constant 1 : i32
        %dma_start3A_713 = arith.constant 0 : i32
        %dma_start3A_714 = tpu.memref_slice %arg8[%sub3A_692, %dma_start3A_712, %dma_start3A_713] : memref<2x2x800xi32, #tpu.memory_space<vmem>> -> memref<1x1x800xi32, #tpu.memory_space<vmem>>
        %dma_start3A_715 = tpu.memref_squeeze %dma_start3A_714 : memref<1x1x800xi32, #tpu.memory_space<vmem>> -> memref<800xi32, #tpu.memory_space<vmem>>
        %dma_start3A_716 = tpu.memref_slice %arg3[%dma_start3A_711, %mul3A_710] : memref<2x320000xi32, #tpu.memory_space<hbm>> -> memref<1x800xi32, #tpu.memory_space<hbm>>
        %dma_start3A_717 = tpu.memref_squeeze %dma_start3A_716 : memref<1x800xi32, #tpu.memory_space<hbm>> -> memref<800xi32, #tpu.memory_space<hbm>>
        %dma_start3A_718 = arith.constant 0 : i32
        %dma_start3A_719 = tpu.memref_slice %arg8[%sub3A_692, %dma_start3A_712, %dma_start3A_718] : memref<2x2x800xi32, #tpu.memory_space<vmem>> -> memref<1x1x800xi32, #tpu.memory_space<vmem>>
        %dma_start3A_720 = tpu.memref_squeeze %dma_start3A_719 : memref<1x1x800xi32, #tpu.memory_space<vmem>> -> memref<800xi32, #tpu.memory_space<vmem>>
        %dma_start3A_721 = tpu.memref_slice %arg3[%dma_start3A_711, %mul3A_710] : memref<2x320000xi32, #tpu.memory_space<hbm>> -> memref<1x800xi32, #tpu.memory_space<hbm>>
        %dma_start3A_722 = tpu.memref_squeeze %dma_start3A_721 : memref<1x800xi32, #tpu.memory_space<hbm>> -> memref<800xi32, #tpu.memory_space<hbm>>
        tpu.enqueue_dma source(%dma_start3A_722 : memref<800xi32, #tpu.memory_space<hbm>>) target(%dma_start3A_720 : memref<800xi32, #tpu.memory_space<vmem>>) target_semaphore(%arg16 : memref<!tpu.dma_semaphore, #tpu.memory_space<semaphore_mem>>)
      } else {
      }
      %add3A_440 = arith.constant 2 : i32
      %add3A_441 = arith.addi %add3A_217, %add3A_440 : i32
      %lt3A_442 = arith.constant 250 : i32
      %lt3A_443 = arith.cmpi slt, %add3A_441, %lt3A_442 : i32
      %convert_element_type3A_444 = arith.extui %lt3A_443 : i1 to i32
      %cond3A_445 = arith.constant 0 : i32
      %cond3A_446 = arith.cmpi ne, %convert_element_type3A_444, %cond3A_445 : i32
      scf.if %cond3A_446 {
        %add3A_687 = arith.constant 2 : i32
        %add3A_688 = arith.addi %add3A_217, %add3A_687 : i32
        %jit3A_689 = arith.constant 10 : i32
        %div3A_690 = arith.divsi %add3A_688, %jit3A_689 : i32
        %sign3A_691 = arith.constant 0 : i32
        %sign3A_692 = arith.cmpi sgt, %add3A_688, %sign3A_691 : i32
        %sign3A_693 = arith.extui %sign3A_692 : i1 to i32
        %sign3A_694 = arith.constant 0 : i32
        %sign3A_695 = arith.cmpi slt, %add3A_688, %sign3A_694 : i32
        %sign3A_696 = arith.extui %sign3A_695 : i1 to i32
        %sign3A_697 = arith.subi %sign3A_693, %sign3A_696 : i32
        %sign3A_698 = arith.constant 0 : i32
        %sign3A_699 = arith.cmpi sgt, %jit3A_689, %sign3A_698 : i32
        %sign3A_700 = arith.extui %sign3A_699 : i1 to i32
        %sign3A_701 = arith.constant 0 : i32
        %sign3A_702 = arith.cmpi slt, %jit3A_689, %sign3A_701 : i32
        %sign3A_703 = arith.extui %sign3A_702 : i1 to i32
        %sign3A_704 = arith.subi %sign3A_700, %sign3A_703 : i32
        %ne3A_705 = arith.cmpi ne, %sign3A_697, %sign3A_704 : i32
        %rem3A_706 = arith.remsi %add3A_688, %jit3A_689 : i32
        %ne3A_707 = arith.constant 0 : i32
        %ne3A_708 = arith.cmpi ne, %rem3A_706, %ne3A_707 : i32
        %and3A_709 = arith.andi %ne3A_705, %ne3A_708 : i1
        %sub3A_710 = arith.constant 1 : i32
        %sub3A_711 = arith.subi %div3A_690, %sub3A_710 : i32
        %select_n3A_712 = arith.select %and3A_709, %sub3A_711, %div3A_690 : i32
        %mul3A_713 = arith.constant 10 : i32
        %mul3A_714 = arith.muli %select_n3A_712, %mul3A_713 : i32
        %sub3A_715 = arith.subi %add3A_688, %mul3A_714 : i32
        %eq3A_716 = arith.constant 0 : i32
        %eq3A_717 = arith.cmpi eq, %sub3A_715, %eq3A_716 : i32
        %convert_element_type3A_718 = arith.extui %eq3A_717 : i1 to i32
        %cond3A_719 = arith.constant 0 : i32
        %cond3A_720 = arith.cmpi ne, %convert_element_type3A_718, %cond3A_719 : i32
        scf.if %cond3A_720 {
          %rem3A_763 = arith.constant 2 : i32
          %rem3A_764 = arith.remsi %select_n3A_712, %rem3A_763 : i32
          %add3A_765 = arith.addi %mul3A_3, %select_n3A_712 : i32
          %mul3A_766 = arith.constant 800 : i32
          %mul3A_767 = arith.muli %add3A_765, %mul3A_766 : i32
          %dma_wait3A_768 = arith.constant 0 : i32
          %dma_wait3A_769 = arith.constant 0 : i32
          %dma_wait3A_770 = arith.constant 0 : i32
          %dma_wait3A_771 = tpu.memref_slice %arg8[%rem3A_764, %dma_wait3A_769, %dma_wait3A_770] : memref<2x2x800xi32, #tpu.memory_space<vmem>> -> memref<1x1x800xi32, #tpu.memory_space<vmem>>
          %dma_wait3A_772 = tpu.memref_squeeze %dma_wait3A_771 : memref<1x1x800xi32, #tpu.memory_space<vmem>> -> memref<800xi32, #tpu.memory_space<vmem>>
          %dma_wait3A_773 = tpu.memref_slice %arg3[%dma_wait3A_768, %mul3A_767] : memref<2x320000xi32, #tpu.memory_space<hbm>> -> memref<1x800xi32, #tpu.memory_space<hbm>>
          %dma_wait3A_774 = tpu.memref_squeeze %dma_wait3A_773 : memref<1x800xi32, #tpu.memory_space<hbm>> -> memref<800xi32, #tpu.memory_space<hbm>>
          %dma_wait3A_775 = arith.constant 0 : i32
          %dma_wait3A_776 = tpu.memref_slice %arg8[%rem3A_764, %dma_wait3A_769, %dma_wait3A_775] : memref<2x2x800xi32, #tpu.memory_space<vmem>> -> memref<1x1x800xi32, #tpu.memory_space<vmem>>
          %dma_wait3A_777 = tpu.memref_squeeze %dma_wait3A_776 : memref<1x1x800xi32, #tpu.memory_space<vmem>> -> memref<800xi32, #tpu.memory_space<vmem>>
          %dma_wait3A_778 = tpu.memref_slice %arg3[%dma_wait3A_768, %mul3A_767] : memref<2x320000xi32, #tpu.memory_space<hbm>> -> memref<1x800xi32, #tpu.memory_space<hbm>>
          %dma_wait3A_779 = tpu.memref_squeeze %dma_wait3A_778 : memref<1x800xi32, #tpu.memory_space<hbm>> -> memref<800xi32, #tpu.memory_space<hbm>>
          tpu.wait_dma2 semaphore(%arg16 : memref<!tpu.dma_semaphore, #tpu.memory_space<semaphore_mem>>) src(%dma_wait3A_779 : memref<800xi32, #tpu.memory_space<hbm>>) dst(%dma_wait3A_777 : memref<800xi32, #tpu.memory_space<vmem>>)
          %add3A_780 = arith.addi %mul3A_3, %select_n3A_712 : i32
          %mul3A_781 = arith.constant 800 : i32
          %mul3A_782 = arith.muli %add3A_780, %mul3A_781 : i32
          %dma_wait3A_783 = arith.constant 1 : i32
          %dma_wait3A_784 = arith.constant 1 : i32
          %dma_wait3A_785 = arith.constant 0 : i32
          %dma_wait3A_786 = tpu.memref_slice %arg8[%rem3A_764, %dma_wait3A_784, %dma_wait3A_785] : memref<2x2x800xi32, #tpu.memory_space<vmem>> -> memref<1x1x800xi32, #tpu.memory_space<vmem>>
          %dma_wait3A_787 = tpu.memref_squeeze %dma_wait3A_786 : memref<1x1x800xi32, #tpu.memory_space<vmem>> -> memref<800xi32, #tpu.memory_space<vmem>>
          %dma_wait3A_788 = tpu.memref_slice %arg3[%dma_wait3A_783, %mul3A_782] : memref<2x320000xi32, #tpu.memory_space<hbm>> -> memref<1x800xi32, #tpu.memory_space<hbm>>
          %dma_wait3A_789 = tpu.memref_squeeze %dma_wait3A_788 : memref<1x800xi32, #tpu.memory_space<hbm>> -> memref<800xi32, #tpu.memory_space<hbm>>
          %dma_wait3A_790 = arith.constant 0 : i32
          %dma_wait3A_791 = tpu.memref_slice %arg8[%rem3A_764, %dma_wait3A_784, %dma_wait3A_790] : memref<2x2x800xi32, #tpu.memory_space<vmem>> -> memref<1x1x800xi32, #tpu.memory_space<vmem>>
          %dma_wait3A_792 = tpu.memref_squeeze %dma_wait3A_791 : memref<1x1x800xi32, #tpu.memory_space<vmem>> -> memref<800xi32, #tpu.memory_space<vmem>>
          %dma_wait3A_793 = tpu.memref_slice %arg3[%dma_wait3A_783, %mul3A_782] : memref<2x320000xi32, #tpu.memory_space<hbm>> -> memref<1x800xi32, #tpu.memory_space<hbm>>
          %dma_wait3A_794 = tpu.memref_squeeze %dma_wait3A_793 : memref<1x800xi32, #tpu.memory_space<hbm>> -> memref<800xi32, #tpu.memory_space<hbm>>
          tpu.wait_dma2 semaphore(%arg16 : memref<!tpu.dma_semaphore, #tpu.memory_space<semaphore_mem>>) src(%dma_wait3A_794 : memref<800xi32, #tpu.memory_space<hbm>>) dst(%dma_wait3A_792 : memref<800xi32, #tpu.memory_space<vmem>>)
        } else {
        }
        %jit3A_721 = arith.constant 10 : i32
        %div3A_722 = arith.divsi %add3A_688, %jit3A_721 : i32
        %sign3A_723 = arith.constant 0 : i32
        %sign3A_724 = arith.cmpi sgt, %add3A_688, %sign3A_723 : i32
        %sign3A_725 = arith.extui %sign3A_724 : i1 to i32
        %sign3A_726 = arith.constant 0 : i32
        %sign3A_727 = arith.cmpi slt, %add3A_688, %sign3A_726 : i32
        %sign3A_728 = arith.extui %sign3A_727 : i1 to i32
        %sign3A_729 = arith.subi %sign3A_725, %sign3A_728 : i32
        %sign3A_730 = arith.constant 0 : i32
        %sign3A_731 = arith.cmpi sgt, %jit3A_721, %sign3A_730 : i32
        %sign3A_732 = arith.extui %sign3A_731 : i1 to i32
        %sign3A_733 = arith.constant 0 : i32
        %sign3A_734 = arith.cmpi slt, %jit3A_721, %sign3A_733 : i32
        %sign3A_735 = arith.extui %sign3A_734 : i1 to i32
        %sign3A_736 = arith.subi %sign3A_732, %sign3A_735 : i32
        %ne3A_737 = arith.cmpi ne, %sign3A_729, %sign3A_736 : i32
        %rem3A_738 = arith.remsi %add3A_688, %jit3A_721 : i32
        %ne3A_739 = arith.constant 0 : i32
        %ne3A_740 = arith.cmpi ne, %rem3A_738, %ne3A_739 : i32
        %and3A_741 = arith.andi %ne3A_737, %ne3A_740 : i1
        %sub3A_742 = arith.constant 1 : i32
        %sub3A_743 = arith.subi %div3A_722, %sub3A_742 : i32
        %select_n3A_744 = arith.select %and3A_741, %sub3A_743, %div3A_722 : i32
        %rem3A_745 = arith.constant 2 : i32
        %rem3A_746 = arith.remsi %select_n3A_744, %rem3A_745 : i32
        %mul3A_747 = arith.constant 10 : i32
        %mul3A_748 = arith.muli %select_n3A_744, %mul3A_747 : i32
        %sub3A_749 = arith.subi %add3A_688, %mul3A_748 : i32
        %rem3A_750 = arith.constant 3 : i32
        %rem3A_751 = arith.remsi %add3A_688, %rem3A_750 : i32
        %mul3A_752 = arith.constant 80 : i32
        %mul3A_753 = arith.muli %rem3A_751, %mul3A_752 : i32
        %mul3A_754 = arith.constant 80 : i32
        %mul3A_755 = arith.muli %sub3A_749, %mul3A_754 : i32
        %dma_start3A_756 = arith.constant 0 : i32
        %dma_start3A_757 = tpu.memref_slice %arg9[%mul3A_753, %dma_start3A_756] : memref<240x128xf32, #tpu.memory_space<vmem>> -> memref<80x128xf32, #tpu.memory_space<vmem>>
        %dma_start3A_758 = tpu.memref_slice %arg8[%rem3A_746, %sub3A_0, %mul3A_755] : memref<2x2x800xi32, #tpu.memory_space<vmem>> -> memref<1x1x80xi32, #tpu.memory_space<vmem>>
        %dma_start3A_759 = tpu.memref_squeeze %dma_start3A_758 : memref<1x1x80xi32, #tpu.memory_space<vmem>> -> memref<80xi32, #tpu.memory_space<vmem>>
        %dma_start3A_760 = arith.constant 0 : i32
        %dma_start3A_761 = arith.constant 0 : i32
        %dma_start3A_762 = tpu.memref_slice %arg2[%dma_start3A_760, %dma_start3A_761] : memref<10000x128xf32, #tpu.memory_space<hbm>> -> memref<10000x128xf32, #tpu.memory_space<hbm>>
        tpu.enqueue_indirect_dma source(%dma_start3A_762 : memref<10000x128xf32, #tpu.memory_space<hbm>>) target(%dma_start3A_757 : memref<80x128xf32, #tpu.memory_space<vmem>>) offsets(%dma_start3A_759 : memref<80xi32, #tpu.memory_space<vmem>>) semaphore(%arg12 : memref<!tpu.dma_semaphore, #tpu.memory_space<semaphore_mem>>)
      } else {
      }
      %mul3A_447 = arith.constant 2 : i32
      %mul3A_448 = arith.muli %mul3A_447, %scan3A_213 : i32
      %add3A_449 = arith.constant 1 : i32
      %add3A_450 = arith.addi %mul3A_448, %add3A_449 : i32
      %jit3A_451 = arith.constant 10 : i32
      %div3A_452 = arith.divsi %add3A_450, %jit3A_451 : i32
      %sign3A_453 = arith.constant 0 : i32
      %sign3A_454 = arith.cmpi sgt, %add3A_450, %sign3A_453 : i32
      %sign3A_455 = arith.extui %sign3A_454 : i1 to i32
      %sign3A_456 = arith.constant 0 : i32
      %sign3A_457 = arith.cmpi slt, %add3A_450, %sign3A_456 : i32
      %sign3A_458 = arith.extui %sign3A_457 : i1 to i32
      %sign3A_459 = arith.subi %sign3A_455, %sign3A_458 : i32
      %sign3A_460 = arith.constant 0 : i32
      %sign3A_461 = arith.cmpi sgt, %jit3A_451, %sign3A_460 : i32
      %sign3A_462 = arith.extui %sign3A_461 : i1 to i32
      %sign3A_463 = arith.constant 0 : i32
      %sign3A_464 = arith.cmpi slt, %jit3A_451, %sign3A_463 : i32
      %sign3A_465 = arith.extui %sign3A_464 : i1 to i32
      %sign3A_466 = arith.subi %sign3A_462, %sign3A_465 : i32
      %ne3A_467 = arith.cmpi ne, %sign3A_459, %sign3A_466 : i32
      %rem3A_468 = arith.remsi %add3A_450, %jit3A_451 : i32
      %ne3A_469 = arith.constant 0 : i32
      %ne3A_470 = arith.cmpi ne, %rem3A_468, %ne3A_469 : i32
      %and3A_471 = arith.andi %ne3A_467, %ne3A_470 : i1
      %sub3A_472 = arith.constant 1 : i32
      %sub3A_473 = arith.subi %div3A_452, %sub3A_472 : i32
      %select_n3A_474 = arith.select %and3A_471, %sub3A_473, %div3A_452 : i32
      %rem3A_475 = arith.constant 2 : i32
      %rem3A_476 = arith.remsi %select_n3A_474, %rem3A_475 : i32
      %mul3A_477 = arith.constant 10 : i32
      %mul3A_478 = arith.muli %select_n3A_474, %mul3A_477 : i32
      %sub3A_479 = arith.subi %add3A_450, %mul3A_478 : i32
      %rem3A_480 = arith.constant 3 : i32
      %rem3A_481 = arith.remsi %add3A_450, %rem3A_480 : i32
      %mul3A_482 = arith.constant 80 : i32
      %mul3A_483 = arith.muli %rem3A_481, %mul3A_482 : i32
      %mul3A_484 = arith.constant 80 : i32
      %mul3A_485 = arith.muli %sub3A_479, %mul3A_484 : i32
      %dma_wait3A_486 = arith.constant 0 : i32
      %dma_wait3A_487 = tpu.memref_slice %arg9[%mul3A_483, %dma_wait3A_486] : memref<240x128xf32, #tpu.memory_space<vmem>> -> memref<80x128xf32, #tpu.memory_space<vmem>>
      %dma_wait3A_488 = tpu.memref_slice %arg8[%rem3A_476, %sub3A_0, %mul3A_485] : memref<2x2x800xi32, #tpu.memory_space<vmem>> -> memref<1x1x80xi32, #tpu.memory_space<vmem>>
      %dma_wait3A_489 = tpu.memref_squeeze %dma_wait3A_488 : memref<1x1x80xi32, #tpu.memory_space<vmem>> -> memref<80xi32, #tpu.memory_space<vmem>>
      %dma_wait3A_490 = arith.constant 0 : i32
      %dma_wait3A_491 = arith.constant 0 : i32
      %dma_wait3A_492 = tpu.memref_slice %arg2[%dma_wait3A_490, %dma_wait3A_491] : memref<10000x128xf32, #tpu.memory_space<hbm>> -> memref<10000x128xf32, #tpu.memory_space<hbm>>
      tpu.wait_indirect_dma semaphore(%arg13 : memref<!tpu.dma_semaphore, #tpu.memory_space<semaphore_mem>>) src(%dma_wait3A_492 : memref<10000x128xf32, #tpu.memory_space<hbm>>) dst(%dma_wait3A_487 : memref<80x128xf32, #tpu.memory_space<vmem>>)
      %jit3A_493 = arith.constant 10 : i32
      %div3A_494 = arith.divsi %add3A_450, %jit3A_493 : i32
      %sign3A_495 = arith.constant 0 : i32
      %sign3A_496 = arith.cmpi sgt, %add3A_450, %sign3A_495 : i32
      %sign3A_497 = arith.extui %sign3A_496 : i1 to i32
      %sign3A_498 = arith.constant 0 : i32
      %sign3A_499 = arith.cmpi slt, %add3A_450, %sign3A_498 : i32
      %sign3A_500 = arith.extui %sign3A_499 : i1 to i32
      %sign3A_501 = arith.subi %sign3A_497, %sign3A_500 : i32
      %sign3A_502 = arith.constant 0 : i32
      %sign3A_503 = arith.cmpi sgt, %jit3A_493, %sign3A_502 : i32
      %sign3A_504 = arith.extui %sign3A_503 : i1 to i32
      %sign3A_505 = arith.constant 0 : i32
      %sign3A_506 = arith.cmpi slt, %jit3A_493, %sign3A_505 : i32
      %sign3A_507 = arith.extui %sign3A_506 : i1 to i32
      %sign3A_508 = arith.subi %sign3A_504, %sign3A_507 : i32
      %ne3A_509 = arith.cmpi ne, %sign3A_501, %sign3A_508 : i32
      %rem3A_510 = arith.remsi %add3A_450, %jit3A_493 : i32
      %ne3A_511 = arith.constant 0 : i32
      %ne3A_512 = arith.cmpi ne, %rem3A_510, %ne3A_511 : i32
      %and3A_513 = arith.andi %ne3A_509, %ne3A_512 : i1
      %sub3A_514 = arith.constant 1 : i32
      %sub3A_515 = arith.subi %div3A_494, %sub3A_514 : i32
      %select_n3A_516 = arith.select %and3A_513, %sub3A_515, %div3A_494 : i32
      %rem3A_517 = arith.constant 2 : i32
      %rem3A_518 = arith.remsi %select_n3A_516, %rem3A_517 : i32
      %mul3A_519 = arith.constant 10 : i32
      %mul3A_520 = arith.muli %select_n3A_516, %mul3A_519 : i32
      %sub3A_521 = arith.subi %add3A_450, %mul3A_520 : i32
      %rem3A_522 = arith.constant 3 : i32
      %rem3A_523 = arith.remsi %add3A_450, %rem3A_522 : i32
      %mul3A_524 = arith.constant 80 : i32
      %mul3A_525 = arith.muli %rem3A_523, %mul3A_524 : i32
      %mul3A_526 = arith.constant 80 : i32
      %mul3A_527 = arith.muli %sub3A_521, %mul3A_526 : i32
      %dma_start3A_528 = arith.constant 0 : i32
      %dma_start3A_529 = tpu.memref_slice %arg9[%mul3A_525, %dma_start3A_528] : memref<240x128xf32, #tpu.memory_space<vmem>> -> memref<80x128xf32, #tpu.memory_space<vmem>>
      %dma_start3A_530 = tpu.memref_slice %arg8[%rem3A_518, %arg0, %mul3A_527] : memref<2x2x800xi32, #tpu.memory_space<vmem>> -> memref<1x1x80xi32, #tpu.memory_space<vmem>>
      %dma_start3A_531 = tpu.memref_squeeze %dma_start3A_530 : memref<1x1x80xi32, #tpu.memory_space<vmem>> -> memref<80xi32, #tpu.memory_space<vmem>>
      %dma_start3A_532 = arith.constant 0 : i32
      %dma_start3A_533 = arith.constant 0 : i32
      %dma_start3A_534 = tpu.memref_slice %arg6[%dma_start3A_532, %dma_start3A_533] : memref<10240x128xf32, #tpu.memory_space<vmem_shared>> -> memref<10240x128xf32, #tpu.memory_space<vmem_shared>>
      tpu.enqueue_indirect_dma source(%dma_start3A_529 : memref<80x128xf32, #tpu.memory_space<vmem>>) target(%dma_start3A_534 : memref<10240x128xf32, #tpu.memory_space<vmem_shared>>) offsets(%dma_start3A_531 : memref<80xi32, #tpu.memory_space<vmem>>) semaphore(%arg15 : memref<!tpu.dma_semaphore, #tpu.memory_space<semaphore_mem>>) {add = true}
      %jit3A_535 = arith.constant 10 : i32
      %div3A_536 = arith.divsi %add3A_450, %jit3A_535 : i32
      %sign3A_537 = arith.constant 0 : i32
      %sign3A_538 = arith.cmpi sgt, %add3A_450, %sign3A_537 : i32
      %sign3A_539 = arith.extui %sign3A_538 : i1 to i32
      %sign3A_540 = arith.constant 0 : i32
      %sign3A_541 = arith.cmpi slt, %add3A_450, %sign3A_540 : i32
      %sign3A_542 = arith.extui %sign3A_541 : i1 to i32
      %sign3A_543 = arith.subi %sign3A_539, %sign3A_542 : i32
      %sign3A_544 = arith.constant 0 : i32
      %sign3A_545 = arith.cmpi sgt, %jit3A_535, %sign3A_544 : i32
      %sign3A_546 = arith.extui %sign3A_545 : i1 to i32
      %sign3A_547 = arith.constant 0 : i32
      %sign3A_548 = arith.cmpi slt, %jit3A_535, %sign3A_547 : i32
      %sign3A_549 = arith.extui %sign3A_548 : i1 to i32
      %sign3A_550 = arith.subi %sign3A_546, %sign3A_549 : i32
      %ne3A_551 = arith.cmpi ne, %sign3A_543, %sign3A_550 : i32
      %rem3A_552 = arith.remsi %add3A_450, %jit3A_535 : i32
      %ne3A_553 = arith.constant 0 : i32
      %ne3A_554 = arith.cmpi ne, %rem3A_552, %ne3A_553 : i32
      %and3A_555 = arith.andi %ne3A_551, %ne3A_554 : i1
      %sub3A_556 = arith.constant 1 : i32
      %sub3A_557 = arith.subi %div3A_536, %sub3A_556 : i32
      %select_n3A_558 = arith.select %and3A_555, %sub3A_557, %div3A_536 : i32
      %rem3A_559 = arith.constant 2 : i32
      %rem3A_560 = arith.remsi %select_n3A_558, %rem3A_559 : i32
      %mul3A_561 = arith.constant 10 : i32
      %mul3A_562 = arith.muli %select_n3A_558, %mul3A_561 : i32
      %sub3A_563 = arith.subi %add3A_450, %mul3A_562 : i32
      %rem3A_564 = arith.constant 3 : i32
      %rem3A_565 = arith.remsi %add3A_450, %rem3A_564 : i32
      %mul3A_566 = arith.constant 80 : i32
      %mul3A_567 = arith.muli %rem3A_565, %mul3A_566 : i32
      %mul3A_568 = arith.constant 80 : i32
      %mul3A_569 = arith.muli %sub3A_563, %mul3A_568 : i32
      %add3A_570 = arith.constant 0 : i32
      %add3A_571 = arith.addi %mul3A_569, %add3A_570 : i32
      %get3A_572 = arith.index_cast %rem3A_560 : i32 to index
      %get3A_573 = arith.index_cast %arg0 : i32 to index
      %get3A_574 = arith.index_cast %add3A_571 : i32 to index
      %get3A_575 = tpu.vector_load %arg8[%get3A_572, %get3A_573, %get3A_574] {strides = array<i32>} : memref<2x2x800xi32, #tpu.memory_space<vmem>>, vector<16xi32>,
      %shift_right_logical3A_576 = arith.constant 7 : i32
      %shift_right_logical3A_577 = vector.broadcast %shift_right_logical3A_576 : i32 to vector<16xi32>
      %shift_right_logical3A_578 = arith.shrui %get3A_575, %shift_right_logical3A_577 : vector<16xi32>
      %and3A_579 = arith.constant 127 : i32
      %and3A_580 = vector.broadcast %and3A_579 : i32 to vector<16xi32>
      %and3A_581 = arith.andi %get3A_575, %and3A_580 : vector<16xi32>
      tpu.vector_store_idx %arg10[%shift_right_logical3A_578, %and3A_581], %broadcast_in_dim3A_4 {add = true} : memref<80x128xf32, #tpu.memory_space<vmem>>[vector<16xi32>, vector<16xi32>], vector<16xf32>,
      %mul3A_582 = arith.constant 80 : i32
      %mul3A_583 = arith.muli %sub3A_563, %mul3A_582 : i32
      %add3A_584 = arith.constant 16 : i32
      %add3A_585 = arith.addi %mul3A_583, %add3A_584 : i32
      %get3A_586 = arith.index_cast %rem3A_560 : i32 to index
      %get3A_587 = arith.index_cast %arg0 : i32 to index
      %get3A_588 = arith.index_cast %add3A_585 : i32 to index
      %get3A_589 = tpu.vector_load %arg8[%get3A_586, %get3A_587, %get3A_588] {strides = array<i32>} : memref<2x2x800xi32, #tpu.memory_space<vmem>>, vector<16xi32>,
      %shift_right_logical3A_590 = arith.constant 7 : i32
      %shift_right_logical3A_591 = vector.broadcast %shift_right_logical3A_590 : i32 to vector<16xi32>
      %shift_right_logical3A_592 = arith.shrui %get3A_589, %shift_right_logical3A_591 : vector<16xi32>
      %and3A_593 = arith.constant 127 : i32
      %and3A_594 = vector.broadcast %and3A_593 : i32 to vector<16xi32>
      %and3A_595 = arith.andi %get3A_589, %and3A_594 : vector<16xi32>
      tpu.vector_store_idx %arg10[%shift_right_logical3A_592, %and3A_595], %broadcast_in_dim3A_4 {add = true} : memref<80x128xf32, #tpu.memory_space<vmem>>[vector<16xi32>, vector<16xi32>], vector<16xf32>,
      %mul3A_596 = arith.constant 80 : i32
      %mul3A_597 = arith.muli %sub3A_563, %mul3A_596 : i32
      %add3A_598 = arith.constant 32 : i32
      %add3A_599 = arith.addi %mul3A_597, %add3A_598 : i32
      %get3A_600 = arith.index_cast %rem3A_560 : i32 to index
      %get3A_601 = arith.index_cast %arg0 : i32 to index
      %get3A_602 = arith.index_cast %add3A_599 : i32 to index
      %get3A_603 = tpu.vector_load %arg8[%get3A_600, %get3A_601, %get3A_602] {strides = array<i32>} : memref<2x2x800xi32, #tpu.memory_space<vmem>>, vector<16xi32>,
      %shift_right_logical3A_604 = arith.constant 7 : i32
      %shift_right_logical3A_605 = vector.broadcast %shift_right_logical3A_604 : i32 to vector<16xi32>
      %shift_right_logical3A_606 = arith.shrui %get3A_603, %shift_right_logical3A_605 : vector<16xi32>
      %and3A_607 = arith.constant 127 : i32
      %and3A_608 = vector.broadcast %and3A_607 : i32 to vector<16xi32>
      %and3A_609 = arith.andi %get3A_603, %and3A_608 : vector<16xi32>
      tpu.vector_store_idx %arg10[%shift_right_logical3A_606, %and3A_609], %broadcast_in_dim3A_4 {add = true} : memref<80x128xf32, #tpu.memory_space<vmem>>[vector<16xi32>, vector<16xi32>], vector<16xf32>,
      %mul3A_610 = arith.constant 80 : i32
      %mul3A_611 = arith.muli %sub3A_563, %mul3A_610 : i32
      %add3A_612 = arith.constant 48 : i32
      %add3A_613 = arith.addi %mul3A_611, %add3A_612 : i32
      %get3A_614 = arith.index_cast %rem3A_560 : i32 to index
      %get3A_615 = arith.index_cast %arg0 : i32 to index
      %get3A_616 = arith.index_cast %add3A_613 : i32 to index
      %get3A_617 = tpu.vector_load %arg8[%get3A_614, %get3A_615, %get3A_616] {strides = array<i32>} : memref<2x2x800xi32, #tpu.memory_space<vmem>>, vector<16xi32>,
      %shift_right_logical3A_618 = arith.constant 7 : i32
      %shift_right_logical3A_619 = vector.broadcast %shift_right_logical3A_618 : i32 to vector<16xi32>
      %shift_right_logical3A_620 = arith.shrui %get3A_617, %shift_right_logical3A_619 : vector<16xi32>
      %and3A_621 = arith.constant 127 : i32
      %and3A_622 = vector.broadcast %and3A_621 : i32 to vector<16xi32>
      %and3A_623 = arith.andi %get3A_617, %and3A_622 : vector<16xi32>
      tpu.vector_store_idx %arg10[%shift_right_logical3A_620, %and3A_623], %broadcast_in_dim3A_4 {add = true} : memref<80x128xf32, #tpu.memory_space<vmem>>[vector<16xi32>, vector<16xi32>], vector<16xf32>,
      %mul3A_624 = arith.constant 80 : i32
      %mul3A_625 = arith.muli %sub3A_563, %mul3A_624 : i32
      %add3A_626 = arith.constant 64 : i32
      %add3A_627 = arith.addi %mul3A_625, %add3A_626 : i32
      %get3A_628 = arith.index_cast %rem3A_560 : i32 to index
      %get3A_629 = arith.index_cast %arg0 : i32 to index
      %get3A_630 = arith.index_cast %add3A_627 : i32 to index
      %get3A_631 = tpu.vector_load %arg8[%get3A_628, %get3A_629, %get3A_630] {strides = array<i32>} : memref<2x2x800xi32, #tpu.memory_space<vmem>>, vector<16xi32>,
      %shift_right_logical3A_632 = arith.constant 7 : i32
      %shift_right_logical3A_633 = vector.broadcast %shift_right_logical3A_632 : i32 to vector<16xi32>
      %shift_right_logical3A_634 = arith.shrui %get3A_631, %shift_right_logical3A_633 : vector<16xi32>
      %and3A_635 = arith.constant 127 : i32
      %and3A_636 = vector.broadcast %and3A_635 : i32 to vector<16xi32>
      %and3A_637 = arith.andi %get3A_631, %and3A_636 : vector<16xi32>
      tpu.vector_store_idx %arg10[%shift_right_logical3A_634, %and3A_637], %broadcast_in_dim3A_4 {add = true} : memref<80x128xf32, #tpu.memory_space<vmem>>[vector<16xi32>, vector<16xi32>], vector<16xf32>,
      %ge3A_638 = arith.constant 1 : i32
      %ge3A_639 = arith.cmpi sge, %add3A_450, %ge3A_638 : i32
      %convert_element_type3A_640 = arith.extui %ge3A_639 : i1 to i32
      %cond3A_641 = arith.constant 0 : i32
      %cond3A_642 = arith.cmpi ne, %convert_element_type3A_640, %cond3A_641 : i32
      scf.if %cond3A_642 {
        %sub3A_687 = arith.constant 1 : i32
        %sub3A_688 = arith.subi %add3A_450, %sub3A_687 : i32
        %jit3A_689 = arith.constant 10 : i32
        %div3A_690 = arith.divsi %sub3A_688, %jit3A_689 : i32
        %sign3A_691 = arith.constant 0 : i32
        %sign3A_692 = arith.cmpi sgt, %sub3A_688, %sign3A_691 : i32
        %sign3A_693 = arith.extui %sign3A_692 : i1 to i32
        %sign3A_694 = arith.constant 0 : i32
        %sign3A_695 = arith.cmpi slt, %sub3A_688, %sign3A_694 : i32
        %sign3A_696 = arith.extui %sign3A_695 : i1 to i32
        %sign3A_697 = arith.subi %sign3A_693, %sign3A_696 : i32
        %sign3A_698 = arith.constant 0 : i32
        %sign3A_699 = arith.cmpi sgt, %jit3A_689, %sign3A_698 : i32
        %sign3A_700 = arith.extui %sign3A_699 : i1 to i32
        %sign3A_701 = arith.constant 0 : i32
        %sign3A_702 = arith.cmpi slt, %jit3A_689, %sign3A_701 : i32
        %sign3A_703 = arith.extui %sign3A_702 : i1 to i32
        %sign3A_704 = arith.subi %sign3A_700, %sign3A_703 : i32
        %ne3A_705 = arith.cmpi ne, %sign3A_697, %sign3A_704 : i32
        %rem3A_706 = arith.remsi %sub3A_688, %jit3A_689 : i32
        %ne3A_707 = arith.constant 0 : i32
        %ne3A_708 = arith.cmpi ne, %rem3A_706, %ne3A_707 : i32
        %and3A_709 = arith.andi %ne3A_705, %ne3A_708 : i1
        %sub3A_710 = arith.constant 1 : i32
        %sub3A_711 = arith.subi %div3A_690, %sub3A_710 : i32
        %select_n3A_712 = arith.select %and3A_709, %sub3A_711, %div3A_690 : i32
        %rem3A_713 = arith.constant 2 : i32
        %rem3A_714 = arith.remsi %select_n3A_712, %rem3A_713 : i32
        %mul3A_715 = arith.constant 10 : i32
        %mul3A_716 = arith.muli %select_n3A_712, %mul3A_715 : i32
        %sub3A_717 = arith.subi %sub3A_688, %mul3A_716 : i32
        %rem3A_718 = arith.constant 3 : i32
        %rem3A_719 = arith.remsi %sub3A_688, %rem3A_718 : i32
        %mul3A_720 = arith.constant 80 : i32
        %mul3A_721 = arith.muli %rem3A_719, %mul3A_720 : i32
        %mul3A_722 = arith.constant 80 : i32
        %mul3A_723 = arith.muli %sub3A_717, %mul3A_722 : i32
        %dma_wait3A_724 = arith.constant 0 : i32
        %dma_wait3A_725 = tpu.memref_slice %arg9[%mul3A_721, %dma_wait3A_724] : memref<240x128xf32, #tpu.memory_space<vmem>> -> memref<80x128xf32, #tpu.memory_space<vmem>>
        %dma_wait3A_726 = tpu.memref_slice %arg8[%rem3A_714, %arg0, %mul3A_723] : memref<2x2x800xi32, #tpu.memory_space<vmem>> -> memref<1x1x80xi32, #tpu.memory_space<vmem>>
        %dma_wait3A_727 = tpu.memref_squeeze %dma_wait3A_726 : memref<1x1x80xi32, #tpu.memory_space<vmem>> -> memref<80xi32, #tpu.memory_space<vmem>>
        %dma_wait3A_728 = arith.constant 0 : i32
        %dma_wait3A_729 = arith.constant 0 : i32
        %dma_wait3A_730 = tpu.memref_slice %arg6[%dma_wait3A_728, %dma_wait3A_729] : memref<10240x128xf32, #tpu.memory_space<vmem_shared>> -> memref<10240x128xf32, #tpu.memory_space<vmem_shared>>
        tpu.wait_indirect_dma semaphore(%arg14 : memref<!tpu.dma_semaphore, #tpu.memory_space<semaphore_mem>>) src(%dma_wait3A_725 : memref<80x128xf32, #tpu.memory_space<vmem>>) dst(%dma_wait3A_730 : memref<10240x128xf32, #tpu.memory_space<vmem_shared>>)
      } else {
      }
      %jit3A_643 = arith.constant 10 : i32
      %div3A_644 = arith.divsi %add3A_450, %jit3A_643 : i32
      %sign3A_645 = arith.constant 0 : i32
      %sign3A_646 = arith.cmpi sgt, %add3A_450, %sign3A_645 : i32
      %sign3A_647 = arith.extui %sign3A_646 : i1 to i32
      %sign3A_648 = arith.constant 0 : i32
      %sign3A_649 = arith.cmpi slt, %add3A_450, %sign3A_648 : i32
      %sign3A_650 = arith.extui %sign3A_649 : i1 to i32
      %sign3A_651 = arith.subi %sign3A_647, %sign3A_650 : i32
      %sign3A_652 = arith.constant 0 : i32
      %sign3A_653 = arith.cmpi sgt, %jit3A_643, %sign3A_652 : i32
      %sign3A_654 = arith.extui %sign3A_653 : i1 to i32
      %sign3A_655 = arith.constant 0 : i32
      %sign3A_656 = arith.cmpi slt, %jit3A_643, %sign3A_655 : i32
      %sign3A_657 = arith.extui %sign3A_656 : i1 to i32
      %sign3A_658 = arith.subi %sign3A_654, %sign3A_657 : i32
      %ne3A_659 = arith.cmpi ne, %sign3A_651, %sign3A_658 : i32
      %rem3A_660 = arith.remsi %add3A_450, %jit3A_643 : i32
      %ne3A_661 = arith.constant 0 : i32
      %ne3A_662 = arith.cmpi ne, %rem3A_660, %ne3A_661 : i32
      %and3A_663 = arith.andi %ne3A_659, %ne3A_662 : i1
      %sub3A_664 = arith.constant 1 : i32
      %sub3A_665 = arith.subi %div3A_644, %sub3A_664 : i32
      %select_n3A_666 = arith.select %and3A_663, %sub3A_665, %div3A_644 : i32
      %mul3A_667 = arith.constant 10 : i32
      %mul3A_668 = arith.muli %select_n3A_666, %mul3A_667 : i32
      %sub3A_669 = arith.subi %add3A_450, %mul3A_668 : i32
      %eq3A_670 = arith.constant 0 : i32
      %eq3A_671 = arith.cmpi eq, %sub3A_669, %eq3A_670 : i32
      %add3A_672 = arith.constant 1 : i32
      %add3A_673 = arith.addi %select_n3A_666, %add3A_672 : i32
      %lt3A_674 = arith.constant 25 : i32
      %lt3A_675 = arith.cmpi slt, %add3A_673, %lt3A_674 : i32
      %and3A_676 = arith.andi %eq3A_671, %lt3A_675 : i1
      %convert_element_type3A_677 = arith.extui %and3A_676 : i1 to i32
      %cond3A_678 = arith.constant 0 : i32
      %cond3A_679 = arith.cmpi ne, %convert_element_type3A_677, %cond3A_678 : i32
      scf.if %cond3A_679 {
        %add3A_687 = arith.constant 1 : i32
        %add3A_688 = arith.addi %select_n3A_666, %add3A_687 : i32
        %rem3A_689 = arith.constant 2 : i32
        %rem3A_690 = arith.remsi %select_n3A_666, %rem3A_689 : i32
        %sub3A_691 = arith.constant 1 : i32
        %sub3A_692 = arith.subi %sub3A_691, %rem3A_690 : i32
        %add3A_693 = arith.addi %mul3A_3, %add3A_688 : i32
        %mul3A_694 = arith.constant 800 : i32
        %mul3A_695 = arith.muli %add3A_693, %mul3A_694 : i32
        %dma_start3A_696 = arith.constant 0 : i32
        %dma_start3A_697 = arith.constant 0 : i32
        %dma_start3A_698 = arith.constant 0 : i32
        %dma_start3A_699 = tpu.memref_slice %arg8[%sub3A_692, %dma_start3A_697, %dma_start3A_698] : memref<2x2x800xi32, #tpu.memory_space<vmem>> -> memref<1x1x800xi32, #tpu.memory_space<vmem>>
        %dma_start3A_700 = tpu.memref_squeeze %dma_start3A_699 : memref<1x1x800xi32, #tpu.memory_space<vmem>> -> memref<800xi32, #tpu.memory_space<vmem>>
        %dma_start3A_701 = tpu.memref_slice %arg3[%dma_start3A_696, %mul3A_695] : memref<2x320000xi32, #tpu.memory_space<hbm>> -> memref<1x800xi32, #tpu.memory_space<hbm>>
        %dma_start3A_702 = tpu.memref_squeeze %dma_start3A_701 : memref<1x800xi32, #tpu.memory_space<hbm>> -> memref<800xi32, #tpu.memory_space<hbm>>
        %dma_start3A_703 = arith.constant 0 : i32
        %dma_start3A_704 = tpu.memref_slice %arg8[%sub3A_692, %dma_start3A_697, %dma_start3A_703] : memref<2x2x800xi32, #tpu.memory_space<vmem>> -> memref<1x1x800xi32, #tpu.memory_space<vmem>>
        %dma_start3A_705 = tpu.memref_squeeze %dma_start3A_704 : memref<1x1x800xi32, #tpu.memory_space<vmem>> -> memref<800xi32, #tpu.memory_space<vmem>>
        %dma_start3A_706 = tpu.memref_slice %arg3[%dma_start3A_696, %mul3A_695] : memref<2x320000xi32, #tpu.memory_space<hbm>> -> memref<1x800xi32, #tpu.memory_space<hbm>>
        %dma_start3A_707 = tpu.memref_squeeze %dma_start3A_706 : memref<1x800xi32, #tpu.memory_space<hbm>> -> memref<800xi32, #tpu.memory_space<hbm>>
        tpu.enqueue_dma source(%dma_start3A_707 : memref<800xi32, #tpu.memory_space<hbm>>) target(%dma_start3A_705 : memref<800xi32, #tpu.memory_space<vmem>>) target_semaphore(%arg16 : memref<!tpu.dma_semaphore, #tpu.memory_space<semaphore_mem>>)
        %add3A_708 = arith.addi %mul3A_3, %add3A_688 : i32
        %mul3A_709 = arith.constant 800 : i32
        %mul3A_710 = arith.muli %add3A_708, %mul3A_709 : i32
        %dma_start3A_711 = arith.constant 1 : i32
        %dma_start3A_712 = arith.constant 1 : i32
        %dma_start3A_713 = arith.constant 0 : i32
        %dma_start3A_714 = tpu.memref_slice %arg8[%sub3A_692, %dma_start3A_712, %dma_start3A_713] : memref<2x2x800xi32, #tpu.memory_space<vmem>> -> memref<1x1x800xi32, #tpu.memory_space<vmem>>
        %dma_start3A_715 = tpu.memref_squeeze %dma_start3A_714 : memref<1x1x800xi32, #tpu.memory_space<vmem>> -> memref<800xi32, #tpu.memory_space<vmem>>
        %dma_start3A_716 = tpu.memref_slice %arg3[%dma_start3A_711, %mul3A_710] : memref<2x320000xi32, #tpu.memory_space<hbm>> -> memref<1x800xi32, #tpu.memory_space<hbm>>
        %dma_start3A_717 = tpu.memref_squeeze %dma_start3A_716 : memref<1x800xi32, #tpu.memory_space<hbm>> -> memref<800xi32, #tpu.memory_space<hbm>>
        %dma_start3A_718 = arith.constant 0 : i32
        %dma_start3A_719 = tpu.memref_slice %arg8[%sub3A_692, %dma_start3A_712, %dma_start3A_718] : memref<2x2x800xi32, #tpu.memory_space<vmem>> -> memref<1x1x800xi32, #tpu.memory_space<vmem>>
        %dma_start3A_720 = tpu.memref_squeeze %dma_start3A_719 : memref<1x1x800xi32, #tpu.memory_space<vmem>> -> memref<800xi32, #tpu.memory_space<vmem>>
        %dma_start3A_721 = tpu.memref_slice %arg3[%dma_start3A_711, %mul3A_710] : memref<2x320000xi32, #tpu.memory_space<hbm>> -> memref<1x800xi32, #tpu.memory_space<hbm>>
        %dma_start3A_722 = tpu.memref_squeeze %dma_start3A_721 : memref<1x800xi32, #tpu.memory_space<hbm>> -> memref<800xi32, #tpu.memory_space<hbm>>
        tpu.enqueue_dma source(%dma_start3A_722 : memref<800xi32, #tpu.memory_space<hbm>>) target(%dma_start3A_720 : memref<800xi32, #tpu.memory_space<vmem>>) target_semaphore(%arg16 : memref<!tpu.dma_semaphore, #tpu.memory_space<semaphore_mem>>)
      } else {
      }
      %add3A_680 = arith.constant 2 : i32
      %add3A_681 = arith.addi %add3A_450, %add3A_680 : i32
      %lt3A_682 = arith.constant 250 : i32
      %lt3A_683 = arith.cmpi slt, %add3A_681, %lt3A_682 : i32
      %convert_element_type3A_684 = arith.extui %lt3A_683 : i1 to i32
      %cond3A_685 = arith.constant 0 : i32
      %cond3A_686 = arith.cmpi ne, %convert_element_type3A_684, %cond3A_685 : i32
      scf.if %cond3A_686 {
        %add3A_687 = arith.constant 2 : i32
        %add3A_688 = arith.addi %add3A_450, %add3A_687 : i32
        %jit3A_689 = arith.constant 10 : i32
        %div3A_690 = arith.divsi %add3A_688, %jit3A_689 : i32
        %sign3A_691 = arith.constant 0 : i32
        %sign3A_692 = arith.cmpi sgt, %add3A_688, %sign3A_691 : i32
        %sign3A_693 = arith.extui %sign3A_692 : i1 to i32
        %sign3A_694 = arith.constant 0 : i32
        %sign3A_695 = arith.cmpi slt, %add3A_688, %sign3A_694 : i32
        %sign3A_696 = arith.extui %sign3A_695 : i1 to i32
        %sign3A_697 = arith.subi %sign3A_693, %sign3A_696 : i32
        %sign3A_698 = arith.constant 0 : i32
        %sign3A_699 = arith.cmpi sgt, %jit3A_689, %sign3A_698 : i32
        %sign3A_700 = arith.extui %sign3A_699 : i1 to i32
        %sign3A_701 = arith.constant 0 : i32
        %sign3A_702 = arith.cmpi slt, %jit3A_689, %sign3A_701 : i32
        %sign3A_703 = arith.extui %sign3A_702 : i1 to i32
        %sign3A_704 = arith.subi %sign3A_700, %sign3A_703 : i32
        %ne3A_705 = arith.cmpi ne, %sign3A_697, %sign3A_704 : i32
        %rem3A_706 = arith.remsi %add3A_688, %jit3A_689 : i32
        %ne3A_707 = arith.constant 0 : i32
        %ne3A_708 = arith.cmpi ne, %rem3A_706, %ne3A_707 : i32
        %and3A_709 = arith.andi %ne3A_705, %ne3A_708 : i1
        %sub3A_710 = arith.constant 1 : i32
        %sub3A_711 = arith.subi %div3A_690, %sub3A_710 : i32
        %select_n3A_712 = arith.select %and3A_709, %sub3A_711, %div3A_690 : i32
        %mul3A_713 = arith.constant 10 : i32
        %mul3A_714 = arith.muli %select_n3A_712, %mul3A_713 : i32
        %sub3A_715 = arith.subi %add3A_688, %mul3A_714 : i32
        %eq3A_716 = arith.constant 0 : i32
        %eq3A_717 = arith.cmpi eq, %sub3A_715, %eq3A_716 : i32
        %convert_element_type3A_718 = arith.extui %eq3A_717 : i1 to i32
        %cond3A_719 = arith.constant 0 : i32
        %cond3A_720 = arith.cmpi ne, %convert_element_type3A_718, %cond3A_719 : i32
        scf.if %cond3A_720 {
          %rem3A_763 = arith.constant 2 : i32
          %rem3A_764 = arith.remsi %select_n3A_712, %rem3A_763 : i32
          %add3A_765 = arith.addi %mul3A_3, %select_n3A_712 : i32
          %mul3A_766 = arith.constant 800 : i32
          %mul3A_767 = arith.muli %add3A_765, %mul3A_766 : i32
          %dma_wait3A_768 = arith.constant 0 : i32
          %dma_wait3A_769 = arith.constant 0 : i32
          %dma_wait3A_770 = arith.constant 0 : i32
          %dma_wait3A_771 = tpu.memref_slice %arg8[%rem3A_764, %dma_wait3A_769, %dma_wait3A_770] : memref<2x2x800xi32, #tpu.memory_space<vmem>> -> memref<1x1x800xi32, #tpu.memory_space<vmem>>
          %dma_wait3A_772 = tpu.memref_squeeze %dma_wait3A_771 : memref<1x1x800xi32, #tpu.memory_space<vmem>> -> memref<800xi32, #tpu.memory_space<vmem>>
          %dma_wait3A_773 = tpu.memref_slice %arg3[%dma_wait3A_768, %mul3A_767] : memref<2x320000xi32, #tpu.memory_space<hbm>> -> memref<1x800xi32, #tpu.memory_space<hbm>>
          %dma_wait3A_774 = tpu.memref_squeeze %dma_wait3A_773 : memref<1x800xi32, #tpu.memory_space<hbm>> -> memref<800xi32, #tpu.memory_space<hbm>>
          %dma_wait3A_775 = arith.constant 0 : i32
          %dma_wait3A_776 = tpu.memref_slice %arg8[%rem3A_764, %dma_wait3A_769, %dma_wait3A_775] : memref<2x2x800xi32, #tpu.memory_space<vmem>> -> memref<1x1x800xi32, #tpu.memory_space<vmem>>
          %dma_wait3A_777 = tpu.memref_squeeze %dma_wait3A_776 : memref<1x1x800xi32, #tpu.memory_space<vmem>> -> memref<800xi32, #tpu.memory_space<vmem>>
          %dma_wait3A_778 = tpu.memref_slice %arg3[%dma_wait3A_768, %mul3A_767] : memref<2x320000xi32, #tpu.memory_space<hbm>> -> memref<1x800xi32, #tpu.memory_space<hbm>>
          %dma_wait3A_779 = tpu.memref_squeeze %dma_wait3A_778 : memref<1x800xi32, #tpu.memory_space<hbm>> -> memref<800xi32, #tpu.memory_space<hbm>>
          tpu.wait_dma2 semaphore(%arg16 : memref<!tpu.dma_semaphore, #tpu.memory_space<semaphore_mem>>) src(%dma_wait3A_779 : memref<800xi32, #tpu.memory_space<hbm>>) dst(%dma_wait3A_777 : memref<800xi32, #tpu.memory_space<vmem>>)
          %add3A_780 = arith.addi %mul3A_3, %select_n3A_712 : i32
          %mul3A_781 = arith.constant 800 : i32
          %mul3A_782 = arith.muli %add3A_780, %mul3A_781 : i32
          %dma_wait3A_783 = arith.constant 1 : i32
          %dma_wait3A_784 = arith.constant 1 : i32
          %dma_wait3A_785 = arith.constant 0 : i32
          %dma_wait3A_786 = tpu.memref_slice %arg8[%rem3A_764, %dma_wait3A_784, %dma_wait3A_785] : memref<2x2x800xi32, #tpu.memory_space<vmem>> -> memref<1x1x800xi32, #tpu.memory_space<vmem>>
          %dma_wait3A_787 = tpu.memref_squeeze %dma_wait3A_786 : memref<1x1x800xi32, #tpu.memory_space<vmem>> -> memref<800xi32, #tpu.memory_space<vmem>>
          %dma_wait3A_788 = tpu.memref_slice %arg3[%dma_wait3A_783, %mul3A_782] : memref<2x320000xi32, #tpu.memory_space<hbm>> -> memref<1x800xi32, #tpu.memory_space<hbm>>
          %dma_wait3A_789 = tpu.memref_squeeze %dma_wait3A_788 : memref<1x800xi32, #tpu.memory_space<hbm>> -> memref<800xi32, #tpu.memory_space<hbm>>
          %dma_wait3A_790 = arith.constant 0 : i32
          %dma_wait3A_791 = tpu.memref_slice %arg8[%rem3A_764, %dma_wait3A_784, %dma_wait3A_790] : memref<2x2x800xi32, #tpu.memory_space<vmem>> -> memref<1x1x800xi32, #tpu.memory_space<vmem>>
          %dma_wait3A_792 = tpu.memref_squeeze %dma_wait3A_791 : memref<1x1x800xi32, #tpu.memory_space<vmem>> -> memref<800xi32, #tpu.memory_space<vmem>>
          %dma_wait3A_793 = tpu.memref_slice %arg3[%dma_wait3A_783, %mul3A_782] : memref<2x320000xi32, #tpu.memory_space<hbm>> -> memref<1x800xi32, #tpu.memory_space<hbm>>
          %dma_wait3A_794 = tpu.memref_squeeze %dma_wait3A_793 : memref<1x800xi32, #tpu.memory_space<hbm>> -> memref<800xi32, #tpu.memory_space<hbm>>
          tpu.wait_dma2 semaphore(%arg16 : memref<!tpu.dma_semaphore, #tpu.memory_space<semaphore_mem>>) src(%dma_wait3A_794 : memref<800xi32, #tpu.memory_space<hbm>>) dst(%dma_wait3A_792 : memref<800xi32, #tpu.memory_space<vmem>>)
        } else {
        }
        %jit3A_721 = arith.constant 10 : i32
        %div3A_722 = arith.divsi %add3A_688, %jit3A_721 : i32
        %sign3A_723 = arith.constant 0 : i32
        %sign3A_724 = arith.cmpi sgt, %add3A_688, %sign3A_723 : i32
        %sign3A_725 = arith.extui %sign3A_724 : i1 to i32
        %sign3A_726 = arith.constant 0 : i32
        %sign3A_727 = arith.cmpi slt, %add3A_688, %sign3A_726 : i32
        %sign3A_728 = arith.extui %sign3A_727 : i1 to i32
        %sign3A_729 = arith.subi %sign3A_725, %sign3A_728 : i32
        %sign3A_730 = arith.constant 0 : i32
        %sign3A_731 = arith.cmpi sgt, %jit3A_721, %sign3A_730 : i32
        %sign3A_732 = arith.extui %sign3A_731 : i1 to i32
        %sign3A_733 = arith.constant 0 : i32
        %sign3A_734 = arith.cmpi slt, %jit3A_721, %sign3A_733 : i32
        %sign3A_735 = arith.extui %sign3A_734 : i1 to i32
        %sign3A_736 = arith.subi %sign3A_732, %sign3A_735 : i32
        %ne3A_737 = arith.cmpi ne, %sign3A_729, %sign3A_736 : i32
        %rem3A_738 = arith.remsi %add3A_688, %jit3A_721 : i32
        %ne3A_739 = arith.constant 0 : i32
        %ne3A_740 = arith.cmpi ne, %rem3A_738, %ne3A_739 : i32
        %and3A_741 = arith.andi %ne3A_737, %ne3A_740 : i1
        %sub3A_742 = arith.constant 1 : i32
        %sub3A_743 = arith.subi %div3A_722, %sub3A_742 : i32
        %select_n3A_744 = arith.select %and3A_741, %sub3A_743, %div3A_722 : i32
        %rem3A_745 = arith.constant 2 : i32
        %rem3A_746 = arith.remsi %select_n3A_744, %rem3A_745 : i32
        %mul3A_747 = arith.constant 10 : i32
        %mul3A_748 = arith.muli %select_n3A_744, %mul3A_747 : i32
        %sub3A_749 = arith.subi %add3A_688, %mul3A_748 : i32
        %rem3A_750 = arith.constant 3 : i32
        %rem3A_751 = arith.remsi %add3A_688, %rem3A_750 : i32
        %mul3A_752 = arith.constant 80 : i32
        %mul3A_753 = arith.muli %rem3A_751, %mul3A_752 : i32
        %mul3A_754 = arith.constant 80 : i32
        %mul3A_755 = arith.muli %sub3A_749, %mul3A_754 : i32
        %dma_start3A_756 = arith.constant 0 : i32
        %dma_start3A_757 = tpu.memref_slice %arg9[%mul3A_753, %dma_start3A_756] : memref<240x128xf32, #tpu.memory_space<vmem>> -> memref<80x128xf32, #tpu.memory_space<vmem>>
        %dma_start3A_758 = tpu.memref_slice %arg8[%rem3A_746, %sub3A_0, %mul3A_755] : memref<2x2x800xi32, #tpu.memory_space<vmem>> -> memref<1x1x80xi32, #tpu.memory_space<vmem>>
        %dma_start3A_759 = tpu.memref_squeeze %dma_start3A_758 : memref<1x1x80xi32, #tpu.memory_space<vmem>> -> memref<80xi32, #tpu.memory_space<vmem>>
        %dma_start3A_760 = arith.constant 0 : i32
        %dma_start3A_761 = arith.constant 0 : i32
        %dma_start3A_762 = tpu.memref_slice %arg2[%dma_start3A_760, %dma_start3A_761] : memref<10000x128xf32, #tpu.memory_space<hbm>> -> memref<10000x128xf32, #tpu.memory_space<hbm>>
        tpu.enqueue_indirect_dma source(%dma_start3A_762 : memref<10000x128xf32, #tpu.memory_space<hbm>>) target(%dma_start3A_757 : memref<80x128xf32, #tpu.memory_space<vmem>>) offsets(%dma_start3A_759 : memref<80xi32, #tpu.memory_space<vmem>>) semaphore(%arg13 : memref<!tpu.dma_semaphore, #tpu.memory_space<semaphore_mem>>)
      } else {
      }
    }
    %scan3A_161 = arith.constant 125 : i32
    %rem3A_162 = arith.constant 24 : i32
    %rem3A_163 = arith.constant 2 : i32
    %rem3A_164 = arith.remsi %rem3A_162, %rem3A_163 : i32
    %rem3A_165 = arith.constant 249 : i32
    %rem3A_166 = arith.constant 3 : i32
    %rem3A_167 = arith.remsi %rem3A_165, %rem3A_166 : i32
    %mul3A_168 = arith.constant 80 : i32
    %mul3A_169 = arith.muli %rem3A_167, %mul3A_168 : i32
    %dma_wait3A_170 = arith.constant 0 : i32
    %dma_wait3A_171 = tpu.memref_slice %arg9[%mul3A_169, %dma_wait3A_170] : memref<240x128xf32, #tpu.memory_space<vmem>> -> memref<80x128xf32, #tpu.memory_space<vmem>>
    %dma_wait3A_172 = arith.constant 720 : i32
    %dma_wait3A_173 = tpu.memref_slice %arg8[%rem3A_164, %arg0, %dma_wait3A_172] : memref<2x2x800xi32, #tpu.memory_space<vmem>> -> memref<1x1x80xi32, #tpu.memory_space<vmem>>
    %dma_wait3A_174 = tpu.memref_squeeze %dma_wait3A_173 : memref<1x1x80xi32, #tpu.memory_space<vmem>> -> memref<80xi32, #tpu.memory_space<vmem>>
    %dma_wait3A_175 = arith.constant 0 : i32
    %dma_wait3A_176 = arith.constant 0 : i32
    %dma_wait3A_177 = tpu.memref_slice %arg6[%dma_wait3A_175, %dma_wait3A_176] : memref<10240x128xf32, #tpu.memory_space<vmem_shared>> -> memref<10240x128xf32, #tpu.memory_space<vmem_shared>>
    tpu.wait_indirect_dma semaphore(%arg15 : memref<!tpu.dma_semaphore, #tpu.memory_space<semaphore_mem>>) src(%dma_wait3A_171 : memref<80x128xf32, #tpu.memory_space<vmem>>) dst(%dma_wait3A_177 : memref<10240x128xf32, #tpu.memory_space<vmem_shared>>)
    %run_scoped3A = arith.constant 0 : i32
    "tpu.region"() ({
      %run_scoped3A_213 = tpu.sem_alloc : memref<!tpu.dma_semaphore, #tpu.memory_space<semaphore_mem>>
      %dma_start3A_214 = arith.constant 0 : i32
      %dma_start3A_215 = tpu.memref_slice %arg11[%run_scoped3A, %dma_start3A_214] : memref<1x80xi32, #tpu.memory_space<vmem>> -> memref<1x80xi32, #tpu.memory_space<vmem>>
      %dma_start3A_216 = tpu.memref_squeeze %dma_start3A_215 : memref<1x80xi32, #tpu.memory_space<vmem>> -> memref<80xi32, #tpu.memory_space<vmem>>
      %dma_start3A_217 = arith.constant 0 : i32
      %dma_start3A_218 = arith.constant 0 : i32
      %dma_start3A_219 = tpu.memref_slice %arg7[%dma_start3A_217, %dma_start3A_218] : memref<80x128xf32, #tpu.memory_space<vmem_shared>> -> memref<80x128xf32, #tpu.memory_space<vmem_shared>>
      tpu.enqueue_indirect_dma source(%arg10 : memref<80x128xf32, #tpu.memory_space<vmem>>) target(%dma_start3A_219 : memref<80x128xf32, #tpu.memory_space<vmem_shared>>) offsets(%dma_start3A_216 : memref<80xi32, #tpu.memory_space<vmem>>) semaphore(%run_scoped3A_213 : memref<!tpu.dma_semaphore, #tpu.memory_space<semaphore_mem>>) {add = true}
      %dma_wait3A_220 = arith.constant 0 : i32
      %dma_wait3A_221 = tpu.memref_slice %arg11[%run_scoped3A, %dma_wait3A_220] : memref<1x80xi32, #tpu.memory_space<vmem>> -> memref<1x80xi32, #tpu.memory_space<vmem>>
      %dma_wait3A_222 = tpu.memref_squeeze %dma_wait3A_221 : memref<1x80xi32, #tpu.memory_space<vmem>> -> memref<80xi32, #tpu.memory_space<vmem>>
      %dma_wait3A_223 = arith.constant 0 : i32
      %dma_wait3A_224 = arith.constant 0 : i32
      %dma_wait3A_225 = tpu.memref_slice %arg7[%dma_wait3A_223, %dma_wait3A_224] : memref<80x128xf32, #tpu.memory_space<vmem_shared>> -> memref<80x128xf32, #tpu.memory_space<vmem_shared>>
      tpu.wait_indirect_dma semaphore(%run_scoped3A_213 : memref<!tpu.dma_semaphore, #tpu.memory_space<semaphore_mem>>) src(%arg10 : memref<80x128xf32, #tpu.memory_space<vmem>>) dst(%dma_wait3A_225 : memref<80x128xf32, #tpu.memory_space<vmem_shared>>)
      tpu.yield
    }) : () -> ()
    %barrier3A_178 = arith.constant 0 : index
    tpu.barrier barrier_id(%barrier3A_178)
    %dma_start3A_179 = arith.constant 0 : i32
    %dma_start3A_180 = tpu.memref_slice %arg4[%arg0, %mul3A_1, %dma_start3A_179] : memref<2x10240x128xf32, #tpu.memory_space<hbm>> -> memref<1x640x128xf32, #tpu.memory_space<hbm>>
    %dma_start3A_181 = tpu.memref_squeeze %dma_start3A_180 : memref<1x640x128xf32, #tpu.memory_space<hbm>> -> memref<640x128xf32, #tpu.memory_space<hbm>>
    %dma_start3A_182 = arith.constant 0 : i32
    %dma_start3A_183 = tpu.memref_slice %arg6[%mul3A_1, %dma_start3A_182] : memref<10240x128xf32, #tpu.memory_space<vmem_shared>> -> memref<640x128xf32, #tpu.memory_space<vmem_shared>>
    tpu.enqueue_dma source(%dma_start3A_183 : memref<640x128xf32, #tpu.memory_space<vmem_shared>>) target(%dma_start3A_181 : memref<640x128xf32, #tpu.memory_space<hbm>>) target_semaphore(%arg16 : memref<!tpu.dma_semaphore, #tpu.memory_space<semaphore_mem>>)
    %mul3A_184 = arith.constant 5 : i32
    %mul3A_185 = arith.muli %arg1, %mul3A_184 : i32
    %jit3A = arith.constant 2 : i32
    %div3A = arith.divsi %arg1, %jit3A : i32
    %sign3A = arith.constant 0 : i32
    %sign3A_186 = arith.cmpi sgt, %arg1, %sign3A : i32
    %sign3A_187 = arith.extui %sign3A_186 : i1 to i32
    %sign3A_188 = arith.constant 0 : i32
    %sign3A_189 = arith.cmpi slt, %arg1, %sign3A_188 : i32
    %sign3A_190 = arith.extui %sign3A_189 : i1 to i32
    %sign3A_191 = arith.subi %sign3A_187, %sign3A_190 : i32
    %sign3A_192 = arith.constant 0 : i32
    %sign3A_193 = arith.cmpi sgt, %jit3A, %sign3A_192 : i32
    %sign3A_194 = arith.extui %sign3A_193 : i1 to i32
    %sign3A_195 = arith.constant 0 : i32
    %sign3A_196 = arith.cmpi slt, %jit3A, %sign3A_195 : i32
    %sign3A_197 = arith.extui %sign3A_196 : i1 to i32
    %sign3A_198 = arith.subi %sign3A_194, %sign3A_197 : i32
    %ne3A = arith.cmpi ne, %sign3A_191, %sign3A_198 : i32
    %rem3A_199 = arith.remsi %arg1, %jit3A : i32
    %ne3A_200 = arith.constant 0 : i32
    %ne3A_201 = arith.cmpi ne, %rem3A_199, %ne3A_200 : i32
    %and3A = arith.andi %ne3A, %ne3A_201 : i1
    %sub3A_202 = arith.constant 1 : i32
    %sub3A_203 = arith.subi %div3A, %sub3A_202 : i32
    %select_n3A = arith.select %and3A, %sub3A_203, %div3A : i32
    %rem3A_204 = arith.constant 2 : i32
    %rem3A_205 = arith.remsi %arg1, %rem3A_204 : i32
    %mul3A_206 = arith.constant 5 : i32
    %mul3A_207 = arith.muli %rem3A_205, %mul3A_206 : i32
    "tpu.region"() ({
      %run_scoped3A_213 = tpu.sem_alloc : memref<!tpu.dma_semaphore, #tpu.memory_space<semaphore_mem>>
      %dma_start3A_214 = arith.constant 0 : i32
      %dma_start3A_215 = tpu.memref_slice %arg5[%arg0, %select_n3A, %mul3A_207, %dma_start3A_214] : memref<2x8x10x128xf32, #tpu.memory_space<hbm>> -> memref<1x1x5x128xf32, #tpu.memory_space<hbm>>
      %dma_start3A_216 = tpu.memref_squeeze %dma_start3A_215 : memref<1x1x5x128xf32, #tpu.memory_space<hbm>> -> memref<5x128xf32, #tpu.memory_space<hbm>>
      %dma_start3A_217 = arith.constant 0 : i32
      %dma_start3A_218 = tpu.memref_slice %arg7[%mul3A_185, %dma_start3A_217] : memref<80x128xf32, #tpu.memory_space<vmem_shared>> -> memref<5x128xf32, #tpu.memory_space<vmem_shared>>
      tpu.enqueue_dma source(%dma_start3A_218 : memref<5x128xf32, #tpu.memory_space<vmem_shared>>) target(%dma_start3A_216 : memref<5x128xf32, #tpu.memory_space<hbm>>) target_semaphore(%run_scoped3A_213 : memref<!tpu.dma_semaphore, #tpu.memory_space<semaphore_mem>>)
      %dma_wait3A_219 = arith.constant 0 : i32
      %dma_wait3A_220 = tpu.memref_slice %arg5[%arg0, %select_n3A, %mul3A_207, %dma_wait3A_219] : memref<2x8x10x128xf32, #tpu.memory_space<hbm>> -> memref<1x1x5x128xf32, #tpu.memory_space<hbm>>
      %dma_wait3A_221 = tpu.memref_squeeze %dma_wait3A_220 : memref<1x1x5x128xf32, #tpu.memory_space<hbm>> -> memref<5x128xf32, #tpu.memory_space<hbm>>
      %dma_wait3A_222 = arith.constant 0 : i32
      %dma_wait3A_223 = tpu.memref_slice %arg7[%mul3A_185, %dma_wait3A_222] : memref<80x128xf32, #tpu.memory_space<vmem_shared>> -> memref<5x128xf32, #tpu.memory_space<vmem_shared>>
      tpu.wait_dma2 semaphore(%run_scoped3A_213 : memref<!tpu.dma_semaphore, #tpu.memory_space<semaphore_mem>>) src(%dma_wait3A_223 : memref<5x128xf32, #tpu.memory_space<vmem_shared>>) dst(%dma_wait3A_221 : memref<5x128xf32, #tpu.memory_space<hbm>>)
      tpu.yield
    }) : () -> ()
    %dma_wait3A_208 = arith.constant 0 : i32
    %dma_wait3A_209 = tpu.memref_slice %arg4[%arg0, %mul3A_1, %dma_wait3A_208] : memref<2x10240x128xf32, #tpu.memory_space<hbm>> -> memref<1x640x128xf32, #tpu.memory_space<hbm>>
    %dma_wait3A_210 = tpu.memref_squeeze %dma_wait3A_209 : memref<1x640x128xf32, #tpu.memory_space<hbm>> -> memref<640x128xf32, #tpu.memory_space<hbm>>
    %dma_wait3A_211 = arith.constant 0 : i32
    %dma_wait3A_212 = tpu.memref_slice %arg6[%mul3A_1, %dma_wait3A_211] : memref<10240x128xf32, #tpu.memory_space<vmem_shared>> -> memref<640x128xf32, #tpu.memory_space<vmem_shared>>
    tpu.wait_dma2 semaphore(%arg16 : memref<!tpu.dma_semaphore, #tpu.memory_space<semaphore_mem>>) src(%dma_wait3A_212 : memref<640x128xf32, #tpu.memory_space<vmem_shared>>) dst(%dma_wait3A_210 : memref<640x128xf32, #tpu.memory_space<hbm>>)
    return
  }
}

module attributes {stable_mosaic.version = 14 : i64} {
  func.func @_mm_body(%arg0: i32, %arg1: memref<2x1x10x128xf32, #tpu.memory_space<vmem>>, %arg2: memref<1280x128xf32, #tpu.memory_space<vmem>>, %arg3: memref<1x1280x128xf32, #tpu.memory_space<vmem>>, %arg4: memref<1x1280x128xf32, #tpu.memory_space<vmem>>, %arg5: memref<256x256xf32, #tpu.memory_space<vmem>>, %arg6: memref<1280x128xf32, #tpu.memory_space<vmem>>) attributes {dimension_semantics = [#tpu.dimension_semantics<arbitrary>], iteration_bounds = array<i64: 8>, scalar_prefetch = 0 : i64, scratch_operands = 0 : i64, tpu.core_type = #tpu.core_type<tc>, window_params = [{transform_indices = @transform_0, window_bounds = array<i64: 2, 1, 10, 128>}, {transform_indices = @transform_1, window_bounds = array<i64: 1280, 128>}, {transform_indices = @transform_2, window_bounds = array<i64: 1, 1280, 128>}, {transform_indices = @transform_3, window_bounds = array<i64: 1, 1280, 128>}, {pipeline_mode = #tpu.pipeline_mode<synchronous>, transform_indices = @transform_4, window_bounds = array<i64: 256, 256>}, {transform_indices = @transform_5, window_bounds = array<i64: 1280, 128>}]} {
    %get3A = arith.constant 0 : index
    %get3A_0 = arith.constant 0 : index
    %get3A_1 = vector.load %arg2[%get3A, %get3A_0] : memref<1280x128xf32, #tpu.memory_space<vmem>>, vector<1280x128xf32>
    %iota3A = tpu.iota {dimensions = array<i32: 0>} : vector<1280x10xi32>
    %jit3A = arith.constant 128 : i32
    %div3A = vector.broadcast %jit3A : i32 to vector<1280x10xi32>
    %div3A_2 = arith.divsi %iota3A, %div3A : vector<1280x10xi32>
    %sign3A = arith.constant 0 : i32
    %sign3A_3 = vector.broadcast %sign3A : i32 to vector<1280x10xi32>
    %sign3A_4 = arith.cmpi sgt, %iota3A, %sign3A_3 : vector<1280x10xi32>
    %sign3A_5 = arith.extui %sign3A_4 : vector<1280x10xi1> to vector<1280x10xi32>
    %sign3A_6 = arith.constant 0 : i32
    %sign3A_7 = vector.broadcast %sign3A_6 : i32 to vector<1280x10xi32>
    %sign3A_8 = arith.cmpi slt, %iota3A, %sign3A_7 : vector<1280x10xi32>
    %sign3A_9 = arith.extui %sign3A_8 : vector<1280x10xi1> to vector<1280x10xi32>
    %sign3A_10 = arith.subi %sign3A_5, %sign3A_9 : vector<1280x10xi32>
    %sign3A_11 = arith.constant 0 : i32
    %sign3A_12 = arith.cmpi sgt, %jit3A, %sign3A_11 : i32
    %sign3A_13 = arith.extui %sign3A_12 : i1 to i32
    %sign3A_14 = arith.constant 0 : i32
    %sign3A_15 = arith.cmpi slt, %jit3A, %sign3A_14 : i32
    %sign3A_16 = arith.extui %sign3A_15 : i1 to i32
    %sign3A_17 = arith.subi %sign3A_13, %sign3A_16 : i32
    %ne3A = vector.broadcast %sign3A_17 : i32 to vector<1280x10xi32>
    %ne3A_18 = arith.cmpi ne, %sign3A_10, %ne3A : vector<1280x10xi32>
    %rem3A = vector.broadcast %jit3A : i32 to vector<1280x10xi32>
    %rem3A_19 = arith.remsi %iota3A, %rem3A : vector<1280x10xi32>
    %ne3A_20 = arith.constant 0 : i32
    %ne3A_21 = vector.broadcast %ne3A_20 : i32 to vector<1280x10xi32>
    %ne3A_22 = arith.cmpi ne, %rem3A_19, %ne3A_21 : vector<1280x10xi32>
    %and3A = arith.andi %ne3A_18, %ne3A_22 : vector<1280x10xi1>
    %sub3A = arith.constant 1 : i32
    %sub3A_23 = vector.broadcast %sub3A : i32 to vector<1280x10xi32>
    %sub3A_24 = arith.subi %div3A_2, %sub3A_23 : vector<1280x10xi32>
    %select_n3A = arith.select %and3A, %sub3A_24, %div3A_2 : vector<1280x10xi1>, vector<1280x10xi32>
    %iota3A_25 = tpu.iota {dimensions = array<i32: 1>} : vector<1280x10xi32>
    %eq3A = arith.cmpi eq, %select_n3A, %iota3A_25 : vector<1280x10xi32>
    %jit3A_26 = arith.constant 1.000000e+00 : f32
    %jit3A_27 = arith.constant 0.000000e+00 : f32
    %broadcast_in_dim3A = vector.broadcast %jit3A_26 : f32 to vector<1280x10xf32>
    %broadcast_in_dim3A_28 = vector.broadcast %jit3A_27 : f32 to vector<1280x10xf32>
    %select_n3A_29 = arith.select %eq3A, %broadcast_in_dim3A, %broadcast_in_dim3A_28 : vector<1280x10xi1>, vector<1280x10xf32>
    %iota3A_30 = tpu.iota {dimensions = array<i32: 1>} : vector<1280x128xi32>
    %iota3A_31 = tpu.iota {dimensions = array<i32: 0>} : vector<1280x128xi32>
    %rem3A_32 = arith.constant 128 : i32
    %rem3A_33 = vector.broadcast %rem3A_32 : i32 to vector<1280x128xi32>
    %rem3A_34 = arith.remsi %iota3A_31, %rem3A_33 : vector<1280x128xi32>
    %eq3A_35 = arith.cmpi eq, %iota3A_30, %rem3A_34 : vector<1280x128xi32>
    %jit3A_36 = arith.constant 1.000000e+00 : f32
    %jit3A_37 = arith.constant 0.000000e+00 : f32
    %broadcast_in_dim3A_38 = vector.broadcast %jit3A_36 : f32 to vector<1280x128xf32>
    %broadcast_in_dim3A_39 = vector.broadcast %jit3A_37 : f32 to vector<1280x128xf32>
    %select_n3A_40 = arith.select %eq3A_35, %broadcast_in_dim3A_38, %broadcast_in_dim3A_39 : vector<1280x128xi1>, vector<1280x128xf32>
    %get3A_41 = arith.constant 0 : index
    %get3A_42 = arith.constant 0 : index
    %get3A_43 = arith.constant 0 : index
    %get3A_44 = arith.constant 0 : index
    %get3A_45 = vector.load %arg1[%get3A_41, %get3A_42, %get3A_43, %get3A_44] : memref<2x1x10x128xf32, #tpu.memory_space<vmem>>, vector<1x1x10x128xf32>
    %get3A_46 = vector.shape_cast %get3A_45 : vector<1x1x10x128xf32> to vector<10x128xf32>
    %dot_general3A = arith.constant dense<0.000000e+00> : vector<1280x128xf32>
    %dot_general3A_47 = tpu.matmul %select_n3A_29, %get3A_46, %dot_general3A {dimension_numbers = #tpu.dot_dimension_numbers<[1], [0], [0], [1], [0, 0, 1, 1], [], []>, transpose_lhs_hint = false} : vector<1280x10xf32>, vector<10x128xf32>, vector<1280x128xf32> -> vector<1280x128xf32>
    %mul3A = arith.mulf %dot_general3A_47, %select_n3A_40 : vector<1280x128xf32>
    %reduce_sum3A = arith.constant dense<0.000000e+00> : vector<1280xf32>
    %reduce_sum3A_48 = vector.multi_reduction <add>, %mul3A, %reduce_sum3A [1] : vector<1280x128xf32> to vector<1280xf32>
    %broadcast_in_dim3A_49 = vector.shape_cast %reduce_sum3A_48 : vector<1280xf32> to vector<1280x1xf32>
    %get3A_50 = arith.constant 1 : index
    %get3A_51 = arith.constant 0 : index
    %get3A_52 = arith.constant 0 : index
    %get3A_53 = arith.constant 0 : index
    %get3A_54 = vector.load %arg1[%get3A_50, %get3A_51, %get3A_52, %get3A_53] : memref<2x1x10x128xf32, #tpu.memory_space<vmem>>, vector<1x1x10x128xf32>
    %get3A_55 = vector.shape_cast %get3A_54 : vector<1x1x10x128xf32> to vector<10x128xf32>
    %dot_general3A_56 = arith.constant dense<0.000000e+00> : vector<1280x128xf32>
    %dot_general3A_57 = tpu.matmul %select_n3A_29, %get3A_55, %dot_general3A_56 {dimension_numbers = #tpu.dot_dimension_numbers<[1], [0], [0], [1], [0, 0, 1, 1], [], []>, transpose_lhs_hint = false} : vector<1280x10xf32>, vector<10x128xf32>, vector<1280x128xf32> -> vector<1280x128xf32>
    %mul3A_58 = arith.mulf %dot_general3A_57, %select_n3A_40 : vector<1280x128xf32>
    %reduce_sum3A_59 = arith.constant dense<0.000000e+00> : vector<1280xf32>
    %reduce_sum3A_60 = vector.multi_reduction <add>, %mul3A_58, %reduce_sum3A_59 [1] : vector<1280x128xf32> to vector<1280xf32>
    %broadcast_in_dim3A_61 = vector.shape_cast %reduce_sum3A_60 : vector<1280xf32> to vector<1280x1xf32>
    %mul3A_62 = vector.broadcast %broadcast_in_dim3A_49 : vector<1280x1xf32> to vector<1280x128xf32>
    %mul3A_63 = arith.mulf %get3A_1, %mul3A_62 : vector<1280x128xf32>
    %get3A_64 = arith.constant 0 : index
    %get3A_65 = arith.constant 0 : index
    %get3A_66 = arith.constant 0 : index
    %get3A_67 = vector.load %arg3[%get3A_64, %get3A_65, %get3A_66] : memref<1x1280x128xf32, #tpu.memory_space<vmem>>, vector<1x1280x128xf32>
    %get3A_68 = vector.shape_cast %get3A_67 : vector<1x1280x128xf32> to vector<1280x128xf32>
    %get3A_69 = arith.constant 0 : index
    %get3A_70 = arith.constant 0 : index
    %get3A_71 = arith.constant 0 : index
    %get3A_72 = vector.load %arg4[%get3A_69, %get3A_70, %get3A_71] : memref<1x1280x128xf32, #tpu.memory_space<vmem>>, vector<1x1280x128xf32>
    %get3A_73 = vector.shape_cast %get3A_72 : vector<1x1280x128xf32> to vector<1280x128xf32>
    %mul3A_74 = vector.broadcast %broadcast_in_dim3A_61 : vector<1280x1xf32> to vector<1280x128xf32>
    %mul3A_75 = arith.mulf %get3A_1, %mul3A_74 : vector<1280x128xf32>
    %concatenate3A = tpu.concatenate %mul3A_63, %get3A_68, %get3A_73, %mul3A_75 in 1 : vector<1280x128xf32>, vector<1280x128xf32>, vector<1280x128xf32>, vector<1280x128xf32> -> vector<1280x512xf32>
    %get3A_76 = arith.constant 0 : index
    %get3A_77 = arith.constant 0 : index
    %get3A_78 = vector.load %arg5[%get3A_76, %get3A_77] : memref<256x256xf32, #tpu.memory_space<vmem>>, vector<256x256xf32>
    %slice3A = vector.extract_strided_slice %get3A_78 {offsets = [0, 0], sizes = [128, 256], strides = [1, 1]} : vector<256x256xf32> to vector<128x256xf32>
    %slice3A_79 = vector.extract_strided_slice %get3A_78 {offsets = [128, 0], sizes = [128, 256], strides = [1, 1]} : vector<256x256xf32> to vector<128x256xf32>
    %concatenate3A_80 = tpu.concatenate %slice3A, %slice3A_79 in 1 : vector<128x256xf32>, vector<128x256xf32> -> vector<128x512xf32>
    %dot_general3A_81 = arith.constant dense<0.000000e+00> : vector<1280x128xf32>
    %dot_general3A_82 = tpu.matmul %concatenate3A, %concatenate3A_80, %dot_general3A_81 {dimension_numbers = #tpu.dot_dimension_numbers<[1], [1], [0], [0], [0, 0, 1, 0], [], []>, transpose_lhs_hint = false} : vector<1280x512xf32>, vector<128x512xf32>, vector<1280x128xf32> -> vector<1280x128xf32>
    %swap3A = arith.constant 0 : index
    %swap3A_83 = arith.constant 0 : index
    %swap3A_84 = vector.load %arg6[%swap3A, %swap3A_83] : memref<1280x128xf32, #tpu.memory_space<vmem>>, vector<1280x128xf32>
    tpu.vector_store %arg6[%swap3A, %swap3A_83], %dot_general3A_82 {strides = array<i32>} : memref<1280x128xf32, #tpu.memory_space<vmem>>, vector<1280x128xf32>,
    return
  }
  func.func @transform_0(%arg0: i32) -> (i32, i32, i32, i32) {
    %c0_i32 = arith.constant 0 : i32
    %c0_i32_0 = arith.constant 0 : i32
    %c0_i32_1 = arith.constant 0 : i32
    %c0_i32_2 = arith.constant 0 : i32
    return %c0_i32, %arg0, %c0_i32_0, %c0_i32_1 : i32, i32, i32, i32
  }
  func.func @transform_1(%arg0: i32) -> (i32, i32) {
    %c0_i32 = arith.constant 0 : i32
    %c0_i32_0 = arith.constant 0 : i32
    return %arg0, %c0_i32 : i32, i32
  }
  func.func @transform_2(%arg0: i32) -> (i32, i32, i32) {
    %c0_i32 = arith.constant 0 : i32
    %c0_i32_0 = arith.constant 0 : i32
    %c0_i32_1 = arith.constant 0 : i32
    return %c0_i32, %arg0, %c0_i32_0 : i32, i32, i32
  }
  func.func @transform_3(%arg0: i32) -> (i32, i32, i32) {
    %c1_i32 = arith.constant 1 : i32
    %c0_i32 = arith.constant 0 : i32
    %c0_i32_0 = arith.constant 0 : i32
    return %c1_i32, %arg0, %c0_i32 : i32, i32, i32
  }
  func.func @transform_4(%arg0: i32) -> (i32, i32) {
    %c0_i32 = arith.constant 0 : i32
    %c0_i32_0 = arith.constant 0 : i32
    %c0_i32_1 = arith.constant 0 : i32
    return %c0_i32, %c0_i32_0 : i32, i32
  }
  func.func @transform_5(%arg0: i32) -> (i32, i32) {
    %c0_i32 = arith.constant 0 : i32
    %c0_i32_0 = arith.constant 0 : i32
    return %arg0, %c0_i32 : i32, i32
  }
}

</mosaic_0001>

<sc_bundles>
// kernel: kernel.4.cloned.1.call-start
scs
__scs_entry_jumppad:
0x0: {  	(pc) =	sbr.rel $0x88, $3  }
0x1: {  	(tag) =	ssettag $0x0;
	lr =	simm.s32 $0x1  }
0x2: {  	[smem:$0x3F9E] =	sst lr;
	_ =	strace $0xD0000000  }
0x3: {  	_ = 	snop  }
0x4: {  	_ = 	snop  }
0x5: {  	_ = 	snop  }
0x6: {  	_ = 	snop  }
0x7: {  	_ = 	snop  }
__scs_overlays_trampoline_lowered:
0x8: {  	[smem:$0x3FAD] =	sst s0  }
0x9: {  	[smem:$0x3FAE] =	sst s1  }
0xa: {  	[smem:$0x3FAF] =	sst s2  }
0xb: {  	[smem:$0x3FB0] =	sst s3  }
0xc: {  	[smem:$0x3FB1] =	sst s4  }
0xd: {  	[smem:$0x3FB2] =	sst s5  }
0xe: {  	[smem:$0x3FB3] =	sst s6  }
0xf: {  	[smem:$0x3FB4] =	sst s7  }
0x10: {  	[smem:$0x3FB5] =	sst s8  }
0x11: {  	[smem:$0x3FB6] =	sst s9;
	s0 =	simm.s32 @!p0 $0x0  }
0x12: {  	s1 =	sld [smem:$0x3F9C];
	s0 =	simm.s32 @p0 $0x1  }
0x13: {  	[smem:$0x3FB7] =	sst s0;
	s0 =	simm.s32 @!p1 $0x0  }
0x14: {  	s2 =	sld [smem:$0x3F9B];
	s0 =	simm.s32 @p1 $0x1  }
0x15: {  	[smem:$0x3FB8] =	sst s0;
	s0 =	simm.s32 @!p2 $0x0  }
0x16: {  	s3 =	sld [smem:$0x3FDB];
	s0 =	simm.s32 @p2 $0x1  }
0x17: {  	s4 =	simm.s32 $0x1BF5;
	[smem:$0x3FBA] =	sst s0  }
0x18: {  	s0 =	sld [smem:$0x3F9D];
	_ =	swait.ge [sflag:s4], $0x0  }
0x19: {  	s7 =	sld [smem:$0x3F9E]  }
0x1a: {  	s8 =	sadd.s32 $0xFFFFE003, lr  }
0x1b: {  	s9 =	sadd.s32 $0xFFFFFEF7, lr;
	s5 =	simm.s32 $0xFFFFFFFF;
	p2 =	slt.u32 s8, $0xFFFFF086  }
0x1c: {  	p1 =	slt.u32 s9, $0xF7A;
	s5 =	simm.s32 @!p2 $0x0  }
0x1d: {  	s5 =	simm.s32 @p1 $0x1;
	p0 =	seq.s32 s7, s2  }
0x1e: {  	s7 =	smul.u32 @!p0 $0xF7A, s2;
	p2 =	seq.s32 @!p0 s5, $0x0  }
0x1f: {  	s9 =	smul.u32 $0xF7A, s1;
	s8 =	simm.s32 @!p0 $0x1BF5;
	p2 =	por !p2, p0  }
0x20: {  	[sflag:s8] =	ssyncset.s32 @!p0 $0xFFFFF086;
	s6 =	sadd.s32 @!p0 s3, s7;
	s7 =	simm.s32 @!p0 $0x108  }
0x21: {  	s3 =	sadd.s32 s3, s9;
	s6 =	sadd.s32 @!p0 $0x88, s6;
	s7 =	simm.s32 @p2 $0x1082  }
0x22: {  	[simem:s7], [sflag:s8] =	dma.local @!p0 [hbm:s6], $0xF7A  }
0x23: {  	s9 =	sor.u32 $0xD0000000, s2;
	s6 =	simm.s32 $0x108;
	_ =	swait.ge @!p0 [sflag:s8], $0x0  }
0x24: {  	s3 =	sadd.s32 $0x88, s3;
	s6 =	simm.s32 @!p1 $0x1082;
	[sflag:s4] =	ssyncset.s32 $0xFFFFF086  }
0x25: {  	[simem:s6], [sflag:s4] =	dma.local [hbm:s3], $0xF7A  }
0x26: {  	[smem:$0x3F9E] =	sst s1;
	(tag) =	ssettag s2;
	_ =	strace s9  }
0x27: {  	s1 =	sld [smem:$0x3FAE]  }
0x28: {  	s2 =	sld [smem:$0x3FAF]  }
0x29: {  	s4 =	sld [smem:$0x3FB1]  }
0x2a: {  	p0 =	seq.s32 s5, $0x0;
	s5 =	sld [smem:$0x3FB2]  }
0x2b: {  	s6 =	sld [smem:$0x3FB3]  }
0x2c: {  	s7 =	sld [smem:$0x3FB4]  }
0x2d: {  	s3 =	simm.s32 $0x108;
	s8 =	sld [smem:$0x3FB5]  }
0x2e: {  	s3 =	simm.s32 @!p0 $0x1082;
	s9 =	sld [smem:$0x3FB6]  }
0x2f: {  	lr =	sadd.s32 s0, s3;
	s0 =	sld [smem:$0x3FAD]  }
0x30: {  	s3 =	sld [smem:$0x3FB0]  }
0x31: {  	[smem:$0x3FB9] =	sst s10  }
0x32: {  	s10 =	sld [smem:$0x3FB7];
	_ =	sdelay $0x3  }
0x33: {  	p0 =	seq.s32 s10, $0x1;
	s10 =	sld [smem:$0x3FB9];
	_ =	sdelay $0x3  }
0x34: {  	[smem:$0x3FB9] =	sst s10  }
0x35: {  	s10 =	sld [smem:$0x3FB8];
	_ =	sdelay $0x3  }
0x36: {  	p1 =	seq.s32 s10, $0x1;
	s10 =	sld [smem:$0x3FB9];
	_ =	sdelay $0x3  }
0x37: {  	[smem:$0x3FB9] =	sst s10  }
0x38: {  	s10 =	sld [smem:$0x3FBA]  }
0x39: {  	_ = 	snop;
	(pc) =	sbr.ind lr, $3  }
0x3a: {  	_ = 	snop  }
0x3b: {  	_ = 	snop  }
0x3c: {  	p2 =	seq.s32 s10, $0x1;
	s10 =	sld [smem:$0x3FB9]  }
0x3d: {  	_ =	shalt  }
0x3e: {  	_ =	shalt  }
0x3f: {  	_ =	shalt  }
0x40: {  	_ =	shalt  }
0x41: {  	_ =	shalt  }
0x42: {  	_ =	shalt  }
0x43: {  	_ =	shalt  }
0x44: {  	_ =	shalt  }
0x45: {  	_ =	shalt  }
0x46: {  	_ =	shalt  }
0x47: {  	_ =	shalt  }
0x48: {  	_ =	shalt  }
0x49: {  	_ =	shalt  }
0x4a: {  	_ =	shalt  }
0x4b: {  	_ =	shalt  }
0x4c: {  	_ =	shalt  }
0x4d: {  	_ =	shalt  }
0x4e: {  	_ =	shalt  }
0x4f: {  	_ =	shalt  }
0x50: {  	_ =	shalt  }
0x51: {  	_ =	shalt  }
0x52: {  	_ =	shalt  }
0x53: {  	_ =	shalt  }
0x54: {  	_ =	shalt  }
0x55: {  	_ =	shalt  }
0x56: {  	_ =	shalt  }
0x57: {  	_ =	shalt  }
0x58: {  	_ =	shalt  }
0x59: {  	_ =	shalt  }
0x5a: {  	_ =	shalt  }
0x5b: {  	_ =	shalt  }
0x5c: {  	_ =	shalt  }
0x5d: {  	_ =	shalt  }
0x5e: {  	_ =	shalt  }
0x5f: {  	_ =	shalt  }
0x60: {  	_ =	shalt  }
0x61: {  	_ =	shalt  }
0x62: {  	_ =	shalt  }
0x63: {  	_ =	shalt  }
0x64: {  	_ =	shalt  }
0x65: {  	_ =	shalt  }
0x66: {  	_ =	shalt  }
0x67: {  	_ =	shalt  }
0x68: {  	_ =	shalt  }
0x69: {  	_ =	shalt  }
0x6a: {  	_ =	shalt  }
0x6b: {  	_ =	shalt  }
0x6c: {  	_ =	shalt  }
0x6d: {  	_ =	shalt  }
0x6e: {  	_ =	shalt  }
0x6f: {  	_ =	shalt  }
0x70: {  	_ =	shalt  }
0x71: {  	_ =	shalt  }
0x72: {  	_ =	shalt  }
0x73: {  	_ =	shalt  }
0x74: {  	_ =	shalt  }
0x75: {  	_ =	shalt  }
0x76: {  	_ =	shalt  }
0x77: {  	_ =	shalt  }
0x78: {  	_ =	shalt  }
0x79: {  	_ =	shalt  }
0x7a: {  	_ =	shalt  }
0x7b: {  	_ =	shalt  }
0x7c: {  	_ =	shalt  }
0x7d: {  	_ =	shalt  }
0x7e: {  	_ =	shalt  }
0x7f: {  	_ =	shalt  }
0x80: {  	_ =	shalt  }
0x81: {  	_ =	shalt  }
0x82: {  	_ =	shalt  }
0x83: {  	_ =	shalt  }
0x84: {  	_ =	shalt  }
0x85: {  	_ =	shalt  }
0x86: {  	_ =	shalt  }
0x87: {  	_ =	shalt  }
.Lfunc_end0:
.L_simem_size_0:
called_computation_lowered:
.L_overlay_start_0:
0x88: {  	s2 =	sld [smem:$0x3FD9]  }
0x89: {  	s3 =	sld [smem:$0x3FFE];
	_ =	sdelay $0x1  }
0x8a: {  	s1 =	srdreg.scid  }
0x8b: {  	s0 =	sand.u32 $0x1, s1  }
0x8c: {  	s17 =	sshll.u32 s0, $0xA;
	s2 =	sadd.s32 s3, s2  }
0x8d: {  	s2 =	sadd.s32 s2, s17  }
0x8e: {  	[smem:$0x3FC5] =	sst s2  }
0x8f: {  	_ = 	snop  }
0x90: {  	s2 =	sld [smem:$0x3FC9]  }
0x91: {  	s18 =	sld [smem:$0x3FD0];
	(tm) =	ssettm $0x1  }
0x92: {  	s4 =	sld [smem:$0x3FFB];
	_ =	sdelay $0x3  }
0x93: {  	_ =	strace s4  }
0x94: {  	s4 =	sld [smem:$0x3FFC];
	_ =	sdelay $0x3  }
0x95: {  	_ =	strace s4  }
0x96: {  	s4 =	sld [smem:$0x3FFD];
	_ =	sdelay $0x3  }
0x97: {  	_ =	strace s4  }
0x98: {  	_ =	strace $0x8FFFFFFF  }
0x99: {  	s19 =	sld [smem:$0x3FDB];
	_ =	sdelay $0x1  }
0x9a: {  	s5 =	simm.s32 $_scs_section_size  }
0x9b: {  	s6 =	simm.s32 $_size__tile_overlayer_lowered;
	s7 =	simm.s32 $_tile_overlayer_lowered  }
0x9c: {  	s22 =	simm.s32 $0x1BFF;
	s21 =	sshll.u32 s7, $0x1;
	s4 =	sadd.s32 s5, s19  }
0x9d: {  	s8 =	simm.s32 $0x0;
	s20 =	sshll.u32 s6, $0x1;
	s6 =	sadd.s32 s21, s4  }
0x9e: {  	[timem:s8], [sflag:s22] =	dma.local [hbm:s6], s20  }
0x9f: {  	_ =	swait.ge [sflag:s22], s20  }
0xa0: {  	s5 =	ssub.s32 $0x0, s20;
	[sflag:s22] =	ssyncset.done $0x0  }
0xa1: {  	[sflag:s22] =	ssyncadd.s32 s5;
	_ =	sdelay $0x1  }
0xa2: {  	s23 =	simm.s32 $0x1B8B  }
0xa3: {  	_ =	swait.ge [sflag:s23], $0x1  }
0xa4: {  	[sflag:s23] =	ssyncset.done $0x0  }
0xa5: {  	s25 =	simm.s32 $0x1B8E;
	s24 =	sld [smem:$0x3FFE];
	[sflag:s23] =	ssyncadd.s32 $0xFFFFFFFF  }
0xa6: {  	s26 =	simm.s32 $execute0_lowered;
	[smem:$0x3FD2] =	sst s25  }
0xa7: {  	s6 =	sshll.u32 s26, $0x1;
	_ =	strace $0x80000046;
	[dreg:$0x1] =	wrdreg $0xFFFFFFFF  }
0xa8: {  	s28 =	simm.s32 $_size_execute0_lowered;
	s4 =	sadd.s32 s4, s6;
	[dreg:$0x0] =	wrdreg $0x0  }
0xa9: {  	s6 =	sshll.u32 s28, $0x1;
	[dreg:$0x2] =	wrdreg s4  }
0xaa: {  	[dreg:$0x3] =	wrdreg s6  }
0xab: {  	[dreg:$0x4] =	wrdreg $0xC0  }
0xac: {  	_ =	task [dreg:s8], $0x5FFFF  }
0xad: {  	[dreg:$0x1] =	wrdreg $0xFFFFFFFF  }
0xae: {  	[dreg:$0x0] =	wrdreg $0x60  }
0xaf: {  	[dreg:$0x2] =	wrdreg s2  }
0xb0: {  	[dreg:$0x3] =	wrdreg s18  }
0xb1: {  	[dreg:$0x4] =	wrdreg s24  }
0xb2: {  	[dreg:$0x5] =	wrdreg $0x0  }
0xb3: {  	[dreg:$0x6] =	wrdreg $0x140000  }
0xb4: {  	[dreg:$0x7] =	wrdreg $0x9  }
0xb5: {  	_ =	task.clear_ibuf [dreg:s8], $0x8FFFF;
	_ =	strace $0x90000046  }
0xb6: {  	s29 =	simm.s32 $0x9;
	_ =	strace $0x80000048  }
0xb7: {  	_ =	swait.ge [sflag:s29], $0x1  }
0xb8: {  	[sflag:s29] =	ssyncadd.s32 $0xFFFFFFFF  }
0xb9: {  	_ =	strace $0x90000048  }
0xba: {  	_ =	sfence  }
0xbb: {  	s30 =	sld [smem:$0x0];
	_ =	sdelay $0x2  }
0xbc: {  	s31 =	sshll.u32 s1, $0xD;
	s1 =	sshrl.u32 s1, $0x2  }
0xbd: {  	s3 =	sand.u32 $0x4000, s31;
	s1 =	sadd.s32 s1, s30  }
0xbe: {  	s0 =	sor.u32 s3, s0;
	s1 =	sshll.u32 s1, $0x11  }
0xbf: {  	s0 =	sor.u32 s1, s0  }
0xc0: {  	s0 =	sadd.s32 $0x8F2B, s0  }
0xc1: {  	[sflag:s0] =	ssyncadd.remote.s32 $0x1  }
0xc2: {  	_ =	sfence.sel $0xFFFF  }
0xc3: {  	[dreg:$0x0] =	wrdreg $0xFFFFFFFF;
	(pc) =	sbr.abs _section_cstart, $3  }
0xc4: {  	[dreg:$0x1] =	wrdreg $0xFFFFFFFF  }
0xc5: {  	_ =	task.clear_ibuf [dreg:s8], $0x2FFFF;
	_ =	strace $0x9FFFFFFF  }
0xc6: {  	(tm) =	ssettm $0x7FFFFFFF  }
0xc7: {  	_ =	shalt  }
tec
execute0_lowered:
.L_overlay_start_1:
0x0: {  	(tag) =	ssettag $0x1  }
0x1: {  	s0 =	rddreg [dreg:$0x0]  }
0x2: {  	s2 =	rddreg [dreg:$0x1]  }
0x3: {  	s1 =	rddreg [dreg:$0x2];
	s14 =	stileid.u32  }
0x4: {  	s4 =	rddreg [dreg:$0x3];
	s5 =	smul.u32 $0x14000, s14  }
0x5: {  	s3 =	srdreg.scid;
	s11 =	smul.u32 $0x50000, s14  }
0x6: {  	s15 =	rddreg [dreg:$0x4];
	s12 =	smul.u32 $0x19, s14  }
0x7: {  	s6 =	simm.s32 $0x0;
	s29 =	simm.s32 $0x1;
	s13 =	smul.u32 $0xA00, s14  }
0x8: {  	s30 =	simm.s32 $0x1C700;
	s3 =	sand.u32 $0x1, s3;
	s21 =	smul.u32 $0x4E20, s14  }
0x9: {  	s31 =	simm.s32 $0x2;
	[smem:$0x7FF] =	sst s6;
	s7 =	smul.u32 $0x140000, s3  }
0xa: {  	s9 =	sshrl.u32 s14, $0x1;
	s10 =	sand.u32 $0x1, s14;
	s8 =	smul.u32 $0x2800, s3  }
0xb: {  	_ =	strace $0x80000047;
	s9 =	smul.u32 $0x500, s9;
	p0 =	seq.s32 s10, $0x1  }
0xc: {  	s10 =	simm.s32 $0x280;
	s17 =	ssub.s32 $0x2, s3;
	s19 =	sxor.u32 $0x1, s3  }
0xd: {  	s3 =	smul.u32 $0xC80, s3;
	s10 =	simm.s32 @!p0 $0x0;
	s18 =	sshrl.u32 s17, $0x1  }
0xe: {  	s11 =	sshrl.u32 s11, $0x2;
	s13 =	sshrl.u32 s13, $0x2;
	s23 =	smul.u32 $0xC80, s19  }
0xf: {  	s24 =	sshrl.u32 s21, $0x3;
	s21 =	simm.s32 $0x14F00;
	s7 =	sadd.s32 s5, s7  }
0x10: {  	s8 =	sadd.s32 s8, s9;
	s20 =	sadd.s32 s11, s4;
	s11 =	sadd.s32 s2, s24  }
0x11: {  	s3 =	sshrl.u32 s3, $0x2;
	s24 =	simm.s32 $0x0;
	s7 =	sshrl.u32 s7, $0x3  }
0x12: {  	s16 =	sadd.s32 s10, s8;
	s8 =	ssub.s32 s17, s18;
	s22 =	sadd.s32 $0x7800, s20  }
0x13: {  	s10 =	sadd.s32 s13, s15;
	s25 =	sshrl.u32 s23, $0x2;
	[dreg:$0x8] =	wrdreg s11  }
0x14: {  	s11 =	sadd.s32 $0x9C40, s11;
	s15 =	sadd.s32 $0x1, s12;
	s19 =	sadd.s32 $0x14280, s3  }
0x15: {  	s3 =	simm.s32 $0x3;
	s28 =	sadd.s32 s7, s1;
	[dreg:$0x6] =	wrdreg s22  }
0x16: {  	s7 =	sshrl.u32 s16, $0x3;
	[dreg:$0x9] =	wrdreg s11;
	s13 =	sadd.s32 $0x14280, s25  }
0x17: {  	s1 =	sadd.s32 s7, s1;
	s7 =	sadd.s32 s5, s4;
	s5 =	sadd.s32 $0xF000, s20  }
.Ltmp0:
0x18: {  	s26 =	sadd.s32 $0x1E00, s28;
	[dreg:$0x7] =	wrdreg s5;
	(pc) =	sbr.rel .LBB2_1-.Ltmp0, $4  }
0x19: {  	s22 =	simm.s32 $0x6;
	s28 =	smax.u32 s8, $0x1;
	[dreg:$0xb] =	wrdreg s26  }
0x1a: {  	v0 =	vimm.f32 $0.0e+00;
	v1 =	vlaneseq.u32;
	s20 =	sadd.s32 $0x3C0, s23;
	s5 =	sadd.s32 $0x142D0, s25;
	[dreg:$0xd] =	wrdreg s28  }
0x1b: {  	v6 =	vimm.f32 $1.000000000e+00;
	v2 =	vor.u32 $0x10, v1;
	v3 =	vor.u32 $0x20, v1;
	s1 =	sadd.s32 $0x1400, s1;
	s25 =	simm.s32 $0x5;
	[dreg:$0xa] =	wrdreg s5  }
0x1c: {  	v4 =	vor.u32 $0x30, v1;
	v5 =	vor.u32 $0x40, v1;
	v7 =	vmov s19;
	s26 =	simm.s32 $0x50;
	[dreg:$0xc] =	wrdreg s1;
	s5 =	simm.s32 $0x4  }
.LBB2_14:
0x1d: {  	_ =	swait.ge [sflag:s5], $0x2800  }
0x1e: {  	[sflag:s5] =	ssyncset.done $0x0  }
0x1f: {  	[sflag:s5] =	ssyncadd.s32 $0xFFFFD800  }
0x20: {  	s8 =	simm.s32 $0x1EF00;
	s1 =	rddreg [dreg:$0x4]  }
0x21: {  	[spmem:s1] =	stream.indirect.scatter.add.f32 [tilespmem:s30], [sflag:$0x6], $0x80, s8, s26, $0xb8;
	[tilespmem:$0x1EF50] =	vst v63  }
0x22: {  	_ =	swait.ge [sflag:s22], $0x2800  }
0x23: {  	[sflag:s22] =	ssyncset.done $0x0  }
0x24: {  	s17 =	stileid.u32;
	[sflag:s22] =	ssyncadd.s32 $0xFFFFD800  }
0x25: {  	s1 =	sshll.u32 s17, $0x6;
	[bflag:$0x0] =	sbarrier.arrive $0xFFFF  }
0x26: {  	s9 =	sshrl.u32 s7, $0x3;
	s18 =	sor.u32 $0x1C05, s1;
	s11 =	rddreg [dreg:$0xb]  }
0x27: {  	[hbm:s11], [sflag:s18] =	dma.local [spmem:s9], $0x2800  }
0x28: {  	s23 =	sshrl.u32 s10, $0x3;
	s1 =	sor.u32 $0x1C06, s1;
	s9 =	rddreg [dreg:$0xc]  }
0x29: {  	[hbm:s9], [sflag:s1] =	dma.local [spmem:s23], $0x50  }
0x2a: {  	_ =	swait.ge [sflag:s22], $0x50  }
0x2b: {  	[sflag:s22] =	ssyncset.done $0x0  }
0x2c: {  	[sflag:s22] =	ssyncadd.s32 $0xFFFFFFB0  }
0x2d: {  	_ =	swait.ge [sflag:s25], $0x2800  }
0x2e: {  	s24 =	sadd.s32 $0x1, s24;
	s28 =	rddreg [dreg:$0xd]  }
0x2f: {  	p0 =	sne.s32 s24, s28  }
.Ltmp1:
0x30: {  	_ = 	snop;
	(pc) =	sbr.rel @!p0 .LBB2_15-.Ltmp1, $3  }
0x31: {  	_ =	sdelay $0x1  }
0x32: {  	[sflag:s25] =	ssyncset.done $0x0  }
0x33: {  	[sflag:s25] =	ssyncadd.s32 $0xFFFFD800  }
.LBB2_1:
0x34: {  	s1 =	simm.s32 $0x0;
	s8 =	simm.s32 $0x200  }
.LBB2_2:
0x35: {  	p0 =	sne.s32 s8, $0x1DE00;
	[tilespmem:s1+$0x14F70] =	vst v0  }
0x36: {  	[tilespmem:s1+$0x14F00] =	vst v0  }
0x37: {  	[tilespmem:s1+$0x14F10] =	vst v0  }
.Ltmp2:
0x38: {  	[tilespmem:s1+$0x14F20] =	vst v0;
	(pc) =	sbr.rel @p0 .LBB2_2-.Ltmp2, $4  }
0x39: {  	[tilespmem:s1+$0x14F30] =	vst v0  }
0x3a: {  	[tilespmem:s1+$0x14F40] =	vst v0  }
0x3b: {  	[tilespmem:s1+$0x14F50] =	vst v0  }
0x3c: {  	[tilespmem:s1+$0x14F60] =	vst v0;
	s1 =	sshra.s32 s8, $0x2;
	s8 =	sadd.s32 $0x200, s8  }
0x3d: {  	[tilespmem:s1+$0x14F70] =	vst v0  }
0x3e: {  	[tilespmem:s1+$0x14F00] =	vst v0  }
0x3f: {  	[tilespmem:s1+$0x14F10] =	vst v0  }
0x40: {  	[tilespmem:s1+$0x14F20] =	vst v0  }
0x41: {  	[tilespmem:s1+$0x14F30] =	vst v0  }
0x42: {  	[tilespmem:s1+$0x14F40] =	vst v0  }
0x43: {  	[tilespmem:s1+$0x14F50] =	vst v0  }
0x44: {  	[tilespmem:s1+$0x14F60] =	vst v0;
	s1 =	simm.s32 $0x0;
	s8 =	simm.s32 $0x200  }
.LBB2_4:
0x45: {  	p0 =	sne.s32 s8, $0x9E00;
	[tilespmem:s1+$0x1C770] =	vst v0  }
0x46: {  	[tilespmem:s1+$0x1C700] =	vst v0  }
0x47: {  	[tilespmem:s1+$0x1C710] =	vst v0  }
.Ltmp3:
0x48: {  	[tilespmem:s1+$0x1C720] =	vst v0;
	(pc) =	sbr.rel @p0 .LBB2_4-.Ltmp3, $4  }
0x49: {  	[tilespmem:s1+$0x1C730] =	vst v0  }
0x4a: {  	[tilespmem:s1+$0x1C740] =	vst v0  }
0x4b: {  	[tilespmem:s1+$0x1C750] =	vst v0  }
0x4c: {  	[tilespmem:s1+$0x1C760] =	vst v0;
	s1 =	sshra.s32 s8, $0x2;
	s8 =	sadd.s32 $0x200, s8  }
0x4d: {  	[tilespmem:s1+$0x1C770] =	vst v0  }
0x4e: {  	[tilespmem:s1+$0x1C700] =	vst v0  }
0x4f: {  	[tilespmem:s1+$0x1C710] =	vst v0  }
0x50: {  	[tilespmem:s1+$0x1C720] =	vst v0  }
0x51: {  	[tilespmem:s1+$0x1C730] =	vst v0  }
0x52: {  	[tilespmem:s1+$0x1C740] =	vst v0  }
0x53: {  	[tilespmem:s1+$0x1C750] =	vst v0  }
0x54: {  	[tilespmem:s1+$0x1C760] =	vst v0  }
0x55: {  	[tilespmem:$0x1EF00] =	vst v1  }
0x56: {  	[tilespmem:$0x1EF10] =	vst v2  }
0x57: {  	[tilespmem:$0x1EF20] =	vst v3  }
0x58: {  	[tilespmem:$0x1EF30] =	vst v4  }
0x59: {  	[tilespmem:$0x1EF40] =	vst v5  }
0x5a: {  	[spmem:s7] =	stream.linear.scatter [tilespmem:s21], [sflag:$0x6], $0x7800, $0x38;
	[tilespmem:$0x1EF50] =	vst v63  }
0x5b: {  	_ =	swait.ge [sflag:s22], $0x7800  }
0x5c: {  	[sflag:s22] =	ssyncset.done $0x0  }
0x5d: {  	s11 =	rddreg [dreg:$0x6];
	[sflag:s22] =	ssyncadd.s32 $0xFFFF8800  }
0x5e: {  	[spmem:s11] =	stream.linear.scatter [tilespmem:s21], [sflag:$0x6], $0x7800, $0x38;
	[tilespmem:$0x1EF50] =	vst v63  }
0x5f: {  	_ =	swait.ge [sflag:s22], $0x7800  }
0x60: {  	[sflag:s22] =	ssyncset.done $0x0  }
0x61: {  	s12 =	rddreg [dreg:$0x7];
	[sflag:s22] =	ssyncadd.s32 $0xFFFF8800  }
0x62: {  	[spmem:s12] =	stream.linear.scatter [tilespmem:s21], [sflag:$0x6], $0x5000, $0x38;
	[tilespmem:$0x1EF50] =	vst v63  }
0x63: {  	_ =	swait.ge [sflag:s22], $0x5000  }
0x64: {  	[sflag:s22] =	ssyncset.done $0x0  }
0x65: {  	[sflag:s22] =	ssyncadd.s32 $0xFFFFB000  }
0x66: {  	[spmem:s10] =	stream.linear.scatter [tilespmem:s21], [sflag:$0x6], $0x280, $0x38;
	[tilespmem:$0x1EF50] =	vst v63  }
0x67: {  	_ =	swait.ge [sflag:s22], $0x280  }
0x68: {  	[sflag:s22] =	ssyncset.done $0x0  }
0x69: {  	[sflag:s22] =	ssyncadd.s32 $0xFFFFFD80  }
0x6a: {  	[bflag:$0x0] =	sbarrier.arrive $0xFFFF  }
0x6b: {  	s28 =	simm.s32 $0x0;
	s8 =	simm.s32 $0x14280;
	s14 =	rddreg [dreg:$0x8]  }
0x6c: {  	[tilespmem:s8], [sflag:$0x5] =	stream.linear.gather [hbm4b:s14+s28], $0x320, $0x38;
	[tilespmem:$0x1EF50] =	vst v63  }
0x6d: {  	s17 =	simm.s32 $0x145A0;
	s16 =	rddreg [dreg:$0x9]  }
0x6e: {  	[tilespmem:s17], [sflag:$0x5] =	stream.linear.gather [hbm4b:s16+s28], $0x320, $0x38;
	[tilespmem:$0x1EF50] =	vst v63  }
0x6f: {  	_ =	swait.ge [sflag:s25], $0x320  }
0x70: {  	[sflag:s25] =	ssyncset.done $0x0  }
0x71: {  	[sflag:s25] =	ssyncadd.s32 $0xFFFFFCE0  }
0x72: {  	_ =	swait.ge [sflag:s25], $0x320  }
0x73: {  	[sflag:s25] =	ssyncset.done $0x0  }
.Ltmp4:
0x74: {  	[sflag:s25] =	ssyncadd.s32 $0xFFFFFCE0;
	(pc) =	sbr.rel .LBB2_6-.Ltmp4, $4  }
0x75: {  	[tilespmem:s21], [sflag:$0x1] =	stream.indirect.gather [hbm4b:s0+s26], $0x80, s13, s26, $0xb8;
	[tilespmem:$0x1EF50] =	vst v63  }
0x76: {  	s23 =	simm.s32 $0x17700;
	s18 =	rddreg [dreg:$0xa]  }
0x77: {  	[tilespmem:s23], [sflag:$0x2] =	stream.indirect.gather [hbm4b:s0+s26], $0x80, s18, s26, $0xb8;
	[tilespmem:$0x1EF50] =	vst v63  }
0x78: {  	s1 =	simm.s32 $0x0;
	s8 =	simm.s32 $0x0;
	s23 =	simm.s32 $0x2  }
.LBB2_11:
0x79: {  	s14 =	sand.u32 $0x1, s14;
	s16 =	sadd.s32 s12, s15  }
0x7a: {  	s14 =	sxor.u32 $0x1, s14;
	s16 =	smul.u32 $0x320, s16  }
0x7b: {  	s14 =	smul.u32 $0x1900, s14;
	_ =	sdelay $0x1  }
0x7c: {  	s16 =	sshrl.u32 s16, $0x3;
	s14 =	sshrl.u32 s14, $0x2  }
0x7d: {  	s16 =	sadd.s32 s2, s16;
	s17 =	sadd.s32 $0x14280, s14  }
0x7e: {  	[tilespmem:s17], [sflag:$0x5] =	stream.linear.gather [hbm4b:s16+s6], $0x320, $0x38;
	[tilespmem:$0x1EF50] =	vst v63  }
0x7f: {  	s14 =	sadd.s32 $0x145A0, s14;
	s16 =	sadd.s32 $0x9C40, s16  }
0x80: {  	[tilespmem:s14], [sflag:$0x5] =	stream.linear.gather [hbm4b:s16+s6], $0x320, $0x38;
	[tilespmem:$0x1EF50] =	vst v63  }
0x81: {  	s16 =	sadd.s32 $0x2, s28  }
.LBB2_12:
0x82: {  	s14 =	sand.u32 $0xFF, s16  }
0x83: {  	s17 =	smul.u32 $0xCD, s14;
	_ =	sdelay $0x1  }
0x84: {  	s14 =	smul.u32 $0xAB, s14;
	s17 =	sshrl.u32 s17, $0xB  }
0x85: {  	s18 =	smul.u32 $0xFFFFFFF6, s17;
	_ =	sdelay $0x1  }
0x86: {  	s14 =	sshrl.u32 s14, $0x9;
	s18 =	sadd.s32 s16, s18  }
0x87: {  	s14 =	smul.u32 $0x3, s14;
	s17 =	sand.u32 $0x1, s17;
	p0 =	sne.s32 s18, $0x0  }
0x88: {  	p1 =	seq.s32 s17, $0x1;
	s11 =	simm.s32 @!p0 $0x5  }
0x89: {  	s14 =	ssub.s32 s16, s14;
	s16 =	simm.s32 $0x640;
	_ =	swait.ge @!p0 [sflag:s11], $0x320  }
0x8a: {  	s14 =	sand.u32 $0xFF, s14;
	s18 =	smul.u32 $0x140, s18;
	[sflag:s11] =	ssyncset.done @!p0 $0x0  }
0x8b: {  	s16 =	simm.s32 @!p1 $0x0;
	s14 =	smul.u32 $0xA000, s14;
	[sflag:s11] =	ssyncadd.s32 @!p0 $0xFFFFFCE0  }
0x8c: {  	s16 =	sadd.s32 s16, s13;
	s17 =	sshra.s32 s18, $0x2;
	_ =	swait.ge @!p0 [sflag:s11], $0x320  }
0x8d: {  	s14 =	sshrl.u32 s14, $0x2;
	s18 =	sadd.s32 s17, s16;
	[sflag:s11] =	ssyncset.done @!p0 $0x0  }
0x8e: {  	s14 =	sadd.s32 $0x14F00, s14;
	[sflag:s11] =	ssyncadd.s32 @!p0 $0xFFFFFCE0;
	p0 =	por $0x0, $0x0  }
0x8f: {  	[tilespmem:s14], [sflag:$0x1] =	stream.indirect.gather [hbm4b:s0+s26], $0x80, s18, s26, $0xb8;
	[tilespmem:$0x1EF50] =	vst v63  }
.LBB2_13:
0x90: {  	s11 =	sadd.s32 $0x1, s28  }
0x91: {  	s14 =	smul.u32 $0xAB, s11;
	_ =	sdelay $0x1  }
0x92: {  	s14 =	sshrl.u32 s14, $0x9  }
0x93: {  	s14 =	sand.u32 $0x7F, s14  }
0x94: {  	s12 =	sand.u32 $0x1, s12;
	s14 =	smul.u32 $0x3, s14  }
0x95: {  	p1 =	seq.s32 s12, $0x1;
	s12 =	simm.s32 $0x1900  }
0x96: {  	_ =	swait.ge [sflag:s31], $0x2800;
	s12 =	simm.s32 @!p1 $0x0;
	s11 =	ssub.s32 s11, s14  }
0x97: {  	s17 =	ssub.s32 $0x140, s9;
	s12 =	sadd.s32 s12, s1;
	s11 =	sand.u32 $0xFF, s11  }
0x98: {  	[sflag:s31] =	ssyncset.done $0x0;
	s16 =	sshra.s32 s12, $0x2;
	s11 =	smul.u32 $0xA000, s11  }
0x99: {  	[sflag:s31] =	ssyncadd.s32 $0xFFFFD800;
	s12 =	sadd.s32 s17, s12;
	s16 =	sadd.s32 s16, s19  }
0x9a: {  	s12 =	sshra.s32 s12, $0x2;
	s14 =	sshra.s32 s17, $0x2;
	s11 =	sshrl.u32 s11, $0x2  }
0x9b: {  	s12 =	sadd.s32 s12, s19;
	s14 =	sadd.s32 s14, s16;
	s11 =	sadd.s32 $0x14F00, s11  }
0x9c: {  	[spmem:s4] =	stream.indirect.scatter.add.f32 [tilespmem:s11], [sflag:$0x4], $0x80, s12, s26, $0xb8;
	[tilespmem:$0x1EF50] =	vst v63  }
0x9d: {  	v8 =	vld [tilespmem:s14+$0x0];
	_ =	sdelay $0x5  }
0x9e: {  	s18 =	ssub.s32 $0x180, s9  }
0x9f: {  	s11 =	sshra.s32 s18, $0x2  }
0xa0: {  	s11 =	sadd.s32 s11, s16;
	[tilespmem:v8+s30+$0x0] =	vst.idx.add.f32.msk $0xffff, v6  }
0xa1: {  	v8 =	vld [tilespmem:s11+$0x0];
	_ =	sdelay $0x5  }
0xa2: {  	s12 =	ssub.s32 $0x1C0, s9  }
0xa3: {  	s11 =	sshra.s32 s12, $0x2  }
0xa4: {  	s11 =	sadd.s32 s11, s16;
	[tilespmem:v8+s30+$0x0] =	vst.idx.add.f32.msk $0xffff, v6  }
0xa5: {  	v8 =	vld [tilespmem:s11+$0x0];
	_ =	sdelay $0x5  }
0xa6: {  	s14 =	ssub.s32 $0x200, s9  }
0xa7: {  	s11 =	sshra.s32 s14, $0x2  }
0xa8: {  	s11 =	sadd.s32 s11, s16;
	[tilespmem:v8+s30+$0x0] =	vst.idx.add.f32.msk $0xffff, v6  }
0xa9: {  	v8 =	vld [tilespmem:s11+$0x0];
	_ =	sdelay $0x5  }
0xaa: {  	s17 =	ssub.s32 $0x240, s9  }
0xab: {  	s9 =	sshra.s32 s17, $0x2  }
0xac: {  	s9 =	sadd.s32 s9, s16;
	s11 =	sadd.s32 @!p0 $0x3, s28;
	[tilespmem:v8+s30+$0x0] =	vst.idx.add.f32.msk $0xffff, v6  }
0xad: {  	v8 =	vld [tilespmem:s9+$0x0];
	s9 =	sand.u32 @!p0 $0xFF, s11  }
0xae: {  	s12 =	smul.u32 @!p0 $0xCD, s9  }
0xaf: {  	s9 =	smul.u32 @!p0 $0xAB, s9  }
0xb0: {  	s18 =	smulhi.u32 $0xCCCCCCCD, s23  }
0xb1: {  	s12 =	sshrl.u32 @!p0 s12, $0xB;
	s9 =	sshrl.u32 @!p0 s9, $0x9  }
0xb2: {  	s14 =	sshrl.u32 s18, $0x3;
	s9 =	smul.u32 @!p0 $0x3, s9;
	s12 =	sand.u32 @!p0 $0x1, s12  }
0xb3: {  	s14 =	smul.u32 $0xC80, s14;
	p1 =	seq.s32 @!p0 s12, $0x1  }
0xb4: {  	s9 =	ssub.s32 @!p0 s11, s9;
	s11 =	simm.s32 @!p0 $0x1900;
	p1 =	por !p1, p0  }
0xb5: {  	s12 =	ssub.s32 s20, s14;
	s9 =	sand.u32 @!p0 $0xFF, s9;
	s11 =	simm.s32 @p1 $0x0  }
0xb6: {  	[tilespmem:v8+s30+$0x0] =	vst.idx.add.f32.msk $0xffff, v6;
	s9 =	smul.u32 @!p0 $0xA000, s9;
	s11 =	sadd.s32 @!p0 s1, s11;
	s1 =	sadd.s32 $0x280, s1  }
0xb7: {  	_ =	swait.ge [sflag:s3], $0x2800;
	s11 =	sadd.s32 @!p0 s12, s11;
	s12 =	simm.s32 @!p0 $0x50  }
0xb8: {  	[sflag:s3] =	ssyncset.done $0x0;
	s9 =	sshrl.u32 @!p0 s9, $0x2;
	s11 =	sshra.s32 @!p0 s11, $0x2  }
0xb9: {  	[sflag:s3] =	ssyncadd.s32 $0xFFFFD800;
	s9 =	sadd.s32 @!p0 $0x14F00, s9;
	s11 =	sadd.s32 @!p0 $0x14280, s11  }
0xba: {  	[tilespmem:s9], [sflag:$0x2] =	stream.indirect.gather @!p0 [hbm4b:s0+s12], $0x80, s11, s12, $0xb8;
	[tilespmem:$0x1EF50] =	vst v63  }
0xbb: {  	p0 =	sne.s32 s1, $0x13880  }
.Ltmp5:
0xbc: {  	_ = 	snop;
	(pc) =	sbr.rel @!p0 .LBB2_14-.Ltmp5, $2  }
0xbd: {  	_ =	sdelay $0x2  }
0xbe: {  	s8 =	sadd.s32 $0x1, s8;
	s23 =	sadd.s32 $0x2, s23;
	s28 =	sadd.s32 $0x2, s28  }
.LBB2_6:
0xbf: {  	s9 =	smul.u32 $0xAB, s28;
	_ =	sdelay $0x1  }
0xc0: {  	s12 =	smulhi.u32 $0xCCCCCCCD, s8;
	s9 =	sshrl.u32 s9, $0x9  }
0xc1: {  	s9 =	sand.u32 $0x7F, s9  }
0xc2: {  	s12 =	sshrl.u32 s12, $0x2;
	s14 =	smul.u32 $0x3, s9  }
0xc3: {  	s9 =	smul.u32 $0xC80, s12;
	s12 =	sand.u32 $0x1, s12  }
0xc4: {  	s12 =	smul.u32 $0x1900, s12;
	s14 =	ssub.s32 s28, s14  }
0xc5: {  	s14 =	sand.u32 $0xFF, s14  }
0xc6: {  	s12 =	ssub.s32 s12, s9;
	s14 =	smul.u32 $0xA000, s14  }
0xc7: {  	_ =	swait.ge [sflag:s29], $0x2800;
	s12 =	sadd.s32 s12, s1  }
0xc8: {  	[sflag:s29] =	ssyncset.done $0x0;
	s12 =	sshra.s32 s12, $0x2;
	s14 =	sshrl.u32 s14, $0x2  }
0xc9: {  	[sflag:s29] =	ssyncadd.s32 $0xFFFFD800;
	s16 =	sadd.s32 s12, s19;
	s14 =	sadd.s32 $0x14F00, s14  }
0xca: {  	[spmem:s4] =	stream.indirect.scatter.add.f32 [tilespmem:s14], [sflag:$0x3], $0x80, s16, s26, $0xb8;
	[tilespmem:$0x1EF50] =	vst v63  }
0xcb: {  	v8 =	vld.idx.msk [tilespmem:v7+s12+$0x0 ss:$0x1], $0xffff;
	_ =	sdelay $0x7  }
0xcc: {  	[tilespmem:v8+s30+$0x0] =	vst.idx.add.f32.msk $0xffff, v6  }
0xcd: {  	v8 =	vld.idx.msk [tilespmem:v7+s12+$0x10 ss:$0x1], $0xffff;
	_ =	sdelay $0x7  }
0xce: {  	[tilespmem:v8+s30+$0x0] =	vst.idx.add.f32.msk $0xffff, v6  }
0xcf: {  	v8 =	vld.idx.msk [tilespmem:v7+s12+$0x20 ss:$0x1], $0xffff;
	_ =	sdelay $0x7  }
0xd0: {  	[tilespmem:v8+s30+$0x0] =	vst.idx.add.f32.msk $0xffff, v6  }
0xd1: {  	v8 =	vld.idx.msk [tilespmem:v7+s12+$0x30 ss:$0x1], $0xffff;
	_ =	sdelay $0x7  }
0xd2: {  	[tilespmem:v8+s30+$0x0] =	vst.idx.add.f32.msk $0xffff, v6  }
0xd3: {  	v8 =	vld.idx.msk [tilespmem:v7+s12+$0x40 ss:$0x1], $0xffff;
	_ =	sdelay $0x2  }
0xd4: {  	p0 =	seq.s32 s1, $0x0  }
.Ltmp6:
0xd5: {  	_ = 	snop;
	(pc) =	sbr.rel @p0 .LBB2_10-.Ltmp6, $3  }
0xd6: {  	s18 =	smul.u32 $0xCD, s8;
	_ =	sdelay $0x1  }
0xd7: {  	s14 =	sshrl.u32 s18, $0xA  }
0xd8: {  	s12 =	sand.u32 $0x3F, s14;
	[tilespmem:v8+s30+$0x0] =	vst.idx.add.f32.msk $0xffff, v6  }
0xd9: {  	p0 =	sgt.u32 s8, $0x77  }
0xda: {  	p1 =	seq.s32 @!p0 s9, s1  }
0xdb: {  	p0 =	por p0, !p1  }
.Ltmp7:
0xdc: {  	_ = 	snop;
	(pc) =	sbr.rel @!p0 .LBB2_11-.Ltmp7, $4  }
0xdd: {  	_ = 	snop  }
0xde: {  	_ =	swait.ge [sflag:s5], $0x2800  }
0xdf: {  	[sflag:s5] =	ssyncset.done $0x0  }
0xe0: {  	[sflag:s5] =	ssyncadd.s32 $0xFFFFD800  }
0xe1: {  	p1 =	seq.s32 s1, $0x13600  }
.Ltmp8:
0xe2: {  	_ = 	snop;
	(pc) =	sbr.rel @p1 .LBB2_13-.Ltmp8, $2  }
0xe3: {  	_ =	sdelay $0x2  }
0xe4: {  	p0 =	por $0x1, $0x1  }
.Ltmp9:
0xe5: {  	(pc) =	sbr.rel .LBB2_12-.Ltmp9, $3  }
0xe6: {  	_ =	sdelay $0x1  }
0xe7: {  	s14 =	sshll.u32 s8, $0x1  }
0xe8: {  	s16 =	sadd.s32 $0x2, s14  }
.LBB2_10:
0xe9: {  	p0 =	sne.s32 s9, s1  }
.Ltmp10:
0xea: {  	_ = 	snop;
	(pc) =	sbr.rel @p0 .LBB2_12-.Ltmp10, $4  }
.Ltmp11:
0xeb: {  	_ = 	snop;
	(pc) =	sbr.rel @!p0 .LBB2_11-.Ltmp11, $4  }
0xec: {  	_ = 	snop  }
0xed: {  	_ = 	snop  }
0xee: {  	s16 =	simm.s32 $0x2  }
0xef: {  	_ = 	snop  }
.LBB2_15:
0xf0: {  	_ =	sfence.sel $0x180000  }
0xf1: {  	[bflag:$0x0] =	sbarrier.arrive $0xFFFF  }
0xf2: {  	_ =	strace $0x90000047  }
0xf3: {  	s0 =	stileid.u32;
	[bflag:$0x2] =	sbarrier.arrive $0xFFFF  }
0xf4: {  	p0 =	sne.s32 s0, $0x0;
	s0 =	rddreg [dreg:$0x5]  }
0xf5: {  	s0 =	sadd.s32 @!p0 $0x100000, s0  }
0xf6: {  	[sflag:s0] =	ssyncadd.tile.s32 @!p0 $0x1;
	_ =	shalt  }
.Lfunc_end2:
_tile_overlayer_lowered:
.L_overlay_start_2:
0xf7: {  	(tag) =	ssettag $0x2  }
0xf8: {  	s0 =	rddreg [dreg:$0x0];
	s2 =	stileid.u32  }
0xf9: {  	s1 =	rddreg [dreg:$0x1];
	p0 =	sne.s32 s2, $0x0  }
0xfa: {  	s3 =	rddreg [dreg:$0x2];
	[bflag:$0x3] =	sbarrier.arrive $0xFFFF;
	s2 =	simm.s32 @!p0 $0x1C06  }
0xfb: {  	[timem:s3], [sflag:s2] =	dma.local @!p0 [hbm:s0], s1  }
0xfc: {  	s0 =	simm.s32 @!p0 $0x6  }
0xfd: {  	_ =	swait.ge @!p0 [sflag:s0], s1  }
0xfe: {  	s1 =	ssub.s32 @!p0 $0x0, s1;
	[sflag:s0] =	ssyncset.done @!p0 $0x0  }
0xff: {  	[sflag:s0] =	ssyncadd.s32 @!p0 s1  }
0x100: {  	[bflag:$0x3] =	sbarrier.arrive $0xFFFF  }
0x101: {  	_ =	shalt  }

</sc_bundles>
